<compile_context>
chip_gen: v7x
topology: tpu7x:2x2x1
jax: 0.10.2.dev20260603
libtpu: 0.0.44.dev20260713+nightly
codegen_flags: <defaults>
</compile_context>

<pallas_src>
import functools

import jax
import jax.numpy as jnp
from jax import lax
from jax.experimental import pallas as pl
from jax.experimental.pallas import tpu as pltpu
from jax.experimental.pallas import tpu_sc as plsc

N = 10000
E = 160000
C_IN = 128
C_HID = 128
C_OUT = 40
C2P = 64

K = 128
E_PAD = 163840
NCHUNKS = E_PAD // K
NW = 32
ROWS_PER_TEC = NCHUNKS // NW
N_COL = 10112
N_ACC = 10240
F1 = C_HID // NW
F2 = C2P // NW
IG = 40
NG = NCHUNKS // IG

_MESH = plsc.VectorSubcoreMesh(core_axis_name="c", subcore_axis_name="s")


def _sc_body(nf, with_deg, ht_hbm, src_hbm, dst_hbm, z_hbm, *refs):
    if with_deg:
        m_out, deg_out = refs[0], refs[1]
        scr = refs[2:]
    else:
        m_out, deg_out = refs[0], None
        scr = refs[1:]
    hloc = scr[:nf]
    acc = scr[nf:2 * nf]
    if with_deg:
        deg, sidx, didx, sem = scr[2 * nf:]
    else:
        sidx, didx, sem = scr[2 * nf:]
        deg = None

    cid = lax.axis_index("c")
    sid = lax.axis_index("s")
    wid = cid * 16 + sid

    for r in range(nf):
        pltpu.sync_copy(ht_hbm.at[wid * nf + r, 0], hloc[r])
        pltpu.sync_copy(z_hbm, acc[r])

    def grp_body(g, _):
        pltpu.sync_copy(src_hbm.at[pl.ds(g * IG, IG)], sidx)
        pltpu.sync_copy(dst_hbm.at[pl.ds(g * IG, IG)], didx)

        def row_body(j, _):
            for v in range(8):
                s16 = sidx[j, pl.ds(v * 16, 16)]
                d16 = didx[j, pl.ds(v * 16, 16)]
                for r in range(nf):
                    vals = plsc.load_gather(hloc[r], [d16])
                    plsc.addupdate_scatter(acc[r], [s16], vals)
            return 0

        lax.fori_loop(0, IG, row_body, 0)
        return 0

    lax.fori_loop(0, NG, grp_body, 0)

    for r in range(nf):
        pltpu.sync_copy(acc[r], m_out.at[wid * nf + r, 0])

    if with_deg:
        ones16 = jnp.ones((16,), jnp.float32)

        def dzero(i, _):
            deg[pl.ds(i * 16, 16)] = jnp.zeros((16,), jnp.float32)
            return 0

        lax.fori_loop(0, N_ACC // 16, dzero, 0)
        pltpu.sync_copy(src_hbm.at[pl.ds(wid * ROWS_PER_TEC, ROWS_PER_TEC)],
                        sidx)

        def dvec(j, _):
            for v in range(8):
                s16 = sidx[j, pl.ds(v * 16, 16)]
                plsc.addupdate_scatter(deg, [s16], ones16)
            return 0

        lax.fori_loop(0, ROWS_PER_TEC, dvec, 0)
        pltpu.sync_copy(deg, deg_out.at[wid, 0])


@jax.jit
def _sc_layer1(ht3, src2d, dst2d, zrow):
    body = functools.partial(_sc_body, F1, True)
    return pl.kernel(
        body,
        out_type=(
            jax.ShapeDtypeStruct((NW * F1, 1, N_ACC), jnp.float32),
            jax.ShapeDtypeStruct((NW, 1, N_ACC), jnp.float32),
        ),
        mesh=_MESH,
        compiler_params=pltpu.CompilerParams(needs_layout_passes=False),
        scratch_types=(
            *[pltpu.VMEM((N_COL,), jnp.float32) for _ in range(F1)],
            *[pltpu.VMEM((N_ACC,), jnp.float32) for _ in range(F1)],
            pltpu.VMEM((N_ACC,), jnp.float32),
            pltpu.VMEM((IG, K), jnp.int32),
            pltpu.VMEM((IG, K), jnp.int32),
            pltpu.SemaphoreType.DMA,
        ),
    )(ht3, src2d, dst2d, zrow)


@jax.jit
def _sc_layer2(ht3, src2d, dst2d, zrow):
    body = functools.partial(_sc_body, F2, False)
    return pl.kernel(
        body,
        out_type=jax.ShapeDtypeStruct((NW * F2, 1, N_ACC), jnp.float32),
        mesh=_MESH,
        compiler_params=pltpu.CompilerParams(needs_layout_passes=False),
        scratch_types=(
            *[pltpu.VMEM((N_ACC,), jnp.float32) for _ in range(F2)],
            *[pltpu.VMEM((N_ACC,), jnp.float32) for _ in range(F2)],
            pltpu.VMEM((IG, K), jnp.int32),
            pltpu.VMEM((IG, K), jnp.int32),
            pltpu.SemaphoreType.DMA,
        ),
    )(ht3, src2d, dst2d, zrow)



_BLK = 1024


def _tc1_body(x_ref, w_ref, b_ref, o_ref):
    o_ref[...] = (
        jnp.dot(x_ref[...], w_ref[...], preferred_element_type=jnp.float32)
        + b_ref[...]
    )


def _tc1(x, W1, b1):
    return pl.pallas_call(
        _tc1_body,
        grid=(10,),
        in_specs=[
            pl.BlockSpec((1000, C_IN), lambda i: (i, 0)),
            pl.BlockSpec((C_IN, C_HID), lambda i: (0, 0)),
            pl.BlockSpec((1, C_HID), lambda i: (0, 0)),
        ],
        out_specs=pl.BlockSpec((1000, C_HID), lambda i: (i, 0)),
        out_shape=jax.ShapeDtypeStruct((N, C_HID), jnp.float32),
    )(x, W1, b1.reshape(1, C_HID))


def _tc2_body(m_ref, d_ref, w_ref, b_ref, h_ref, inv_ref):
    deg = jnp.sum(d_ref[...], axis=1, keepdims=True)
    inv = 1.0 / deg
    t = jnp.maximum(m_ref[...] * inv, 0.0)
    h_ref[...] = (
        jnp.dot(t, w_ref[...], preferred_element_type=jnp.float32) + b_ref[...]
    )
    inv_ref[...] = inv


def _tc2(m1, degT, W2p, b2p):
    return pl.pallas_call(
        _tc2_body,
        grid=(N_ACC // _BLK,),
        in_specs=[
            pl.BlockSpec((_BLK, C_HID), lambda i: (i, 0)),
            pl.BlockSpec((_BLK, NW), lambda i: (i, 0)),
            pl.BlockSpec((C_HID, C2P), lambda i: (0, 0)),
            pl.BlockSpec((1, C2P), lambda i: (0, 0)),
        ],
        out_specs=[
            pl.BlockSpec((_BLK, C2P), lambda i: (i, 0)),
            pl.BlockSpec((_BLK, 1), lambda i: (i, 0)),
        ],
        out_shape=[
            jax.ShapeDtypeStruct((N_ACC, C2P), jnp.float32),
            jax.ShapeDtypeStruct((N_ACC, 1), jnp.float32),
        ],
    )(m1, degT, W2p, b2p.reshape(1, C2P))


def _tc3_body(m_ref, inv_ref, o_ref):
    o_ref[...] = (m_ref[...] * inv_ref[...])[:, :C_OUT]


def _tc3(m2, inv):
    return pl.pallas_call(
        _tc3_body,
        grid=(N_ACC // _BLK,),
        in_specs=[
            pl.BlockSpec((_BLK, C2P), lambda i: (i, 0)),
            pl.BlockSpec((_BLK, 1), lambda i: (i, 0)),
        ],
        out_specs=pl.BlockSpec((_BLK, C_OUT), lambda i: (i, 0)),
        out_shape=jax.ShapeDtypeStruct((N_ACC, C_OUT), jnp.float32),
    )(m2, inv)


def kernel(x, edge_index, W1, b1, W2, b2):
    pad_src = jnp.full((E_PAD - E,), N, jnp.int32)
    pad_dst = jnp.zeros((E_PAD - E,), jnp.int32)
    src2d = jnp.concatenate([edge_index[0], pad_src]).reshape(NCHUNKS, K)
    dst2d = jnp.concatenate([edge_index[1], pad_dst]).reshape(NCHUNKS, K)
    W2p = jnp.pad(W2, ((0, 0), (0, C2P - C_OUT)))
    b2p = jnp.pad(b2, (0, C2P - C_OUT))
    zrow = jnp.zeros((N_ACC,), jnp.float32)

    h1p = _tc1(x, W1, b1)
    h1t3 = jnp.pad(h1p.T, ((0, 0), (0, N_COL - N))).reshape(C_HID, 1, N_COL)
    m1t3, degp = _sc_layer1(h1t3, src2d, dst2d, zrow)
    m1 = m1t3.reshape(C_HID, N_ACC).T
    degT = degp.reshape(NW, N_ACC).T
    h2p, inv = _tc2(m1, degT, W2p, b2p)
    h2t3 = h2p.T.reshape(C2P, 1, N_ACC)
    m2t3 = _sc_layer2(h2t3, src2d, dst2d, zrow)
    m2 = m2t3.reshape(C2P, N_ACC).T
    out = _tc3(m2, inv)
    return out[:N]

# --- scband reference (transcript-rebuilt; emitter-appended) ---
"""Pipeline reference for scband-gnnmodel-61572651155556 (READ-ONLY COPY).

The authoritative reference and input builder live on the scoring server;
editing this copy changes nothing except your own understanding.
"""

import jax, jax.numpy as jnp
import numpy as np

N = 10000
E = 160000
C_IN = 128
C_HID = 128
C_OUT = 40


def _glorot(key, shape):
    fan_in, fan_out = shape[0], shape[1]
    lim = jnp.sqrt(6.0 / (fan_in + fan_out))
    return jax.random.uniform(key, shape, jnp.float32, -lim, lim)


def setup_inputs(seed: int = 0) -> dict:
    key = jax.random.key(seed)
    ks = jax.random.split(key, 6)
    x = jax.random.normal(ks[0], (N, C_IN), dtype=jnp.float32)
    edge_index = jax.random.randint(ks[1], (2, E), 0, N, dtype=jnp.int32)
    W1 = _glorot(ks[2], (C_IN, C_HID))
    b1 = jnp.zeros((C_HID,), jnp.float32)
    W2 = _glorot(ks[3], (C_HID, C_OUT))
    b2 = jnp.zeros((C_OUT,), jnp.float32)
    return {"x": x, "edge_index": edge_index, "W1": W1, "b1": b1, "W2": W2, "b2": b2}


def _gcn_layer(feats, edge_index, W, b):
    # Faithful to GCNLayer.forward: to_dense_adj(edge_index) then projection,
    # bmm(adj, feats), divide by row-degree, squeeze batch dim of 1.
    n = feats.shape[0]
    adj = jnp.zeros((n, n), dtype=feats.dtype).at[edge_index[0], edge_index[1]].add(1.0)
    num_neighbours = jnp.sum(adj, axis=-1, keepdims=True)
    h = feats @ W + b
    h = adj @ h
    h = h / num_neighbours
    return h


def reference(x, edge_index, W1, b1, W2, b2):
    # GNNModel with num_layers=2, layer_name='myGCN':
    # [GCNLayer(c_in->c_hidden), ReLU, Dropout(eval: identity), GCNLayer(c_hidden->c_out)]
    h = _gcn_layer(x, edge_index, W1, b1)
    h = jax.nn.relu(h)
    # dropout is identity in eval mode
    out = _gcn_layer(h, edge_index, W2, b2)
    return out

if __name__ == "__main__":
    import jax
    _d = setup_inputs()
    print(jax.jit(kernel)(*tuple(_d.values())))

</pallas_src>

<mosaic_0001>
#map = affine_map<(d0, d1) -> (0, 0, 0)>
#map1 = affine_map<(d0, d1) -> (0, 0)>
#map2 = affine_map<(d0, d1) -> (0)>
module attributes {stable_mosaic.version = 14 : i64} {
  func.func @_sc_body(%arg0: i32, %arg1: i32, %arg2: memref<128x1x10112xf32, #tpu.memory_space<hbm>>, %arg3: memref<1280x128xi32, #tpu.memory_space<hbm>>, %arg4: memref<1280x128xi32, #tpu.memory_space<hbm>>, %arg5: memref<10240xf32, #tpu.memory_space<hbm>>, %arg6: memref<128x1x10240xf32, #tpu.memory_space<hbm>>, %arg7: memref<32x1x10240xf32, #tpu.memory_space<hbm>>, %arg8: memref<10112xf32, #tpu.memory_space<vmem>>, %arg9: memref<10112xf32, #tpu.memory_space<vmem>>, %arg10: memref<10112xf32, #tpu.memory_space<vmem>>, %arg11: memref<10112xf32, #tpu.memory_space<vmem>>, %arg12: memref<10240xf32, #tpu.memory_space<vmem>>, %arg13: memref<10240xf32, #tpu.memory_space<vmem>>, %arg14: memref<10240xf32, #tpu.memory_space<vmem>>, %arg15: memref<10240xf32, #tpu.memory_space<vmem>>, %arg16: memref<10240xf32, #tpu.memory_space<vmem>>, %arg17: memref<40x128xi32, #tpu.memory_space<vmem>>, %arg18: memref<40x128xi32, #tpu.memory_space<vmem>>, %arg19: memref<!tpu.dma_semaphore, #tpu.memory_space<semaphore_mem>>) attributes {dimension_semantics = [#tpu.dimension_semantics<core_parallel>, #tpu.dimension_semantics<subcore_parallel>], iteration_bounds = array<i64: 2, 16>, scalar_prefetch = 0 : i64, scratch_operands = 12 : i64, tpu.core_type = #tpu.core_type<sc_vector_subcore>, window_params = [{transform_indices = #map}, {transform_indices = #map1}, {transform_indices = #map1}, {transform_indices = #map2}, {transform_indices = #map}, {transform_indices = #map}]} {
    %mul3A = arith.constant 16 : i32
    %mul3A_0 = arith.muli %arg0, %mul3A : i32
    %add3A = arith.addi %mul3A_0, %arg1 : i32
    %mul3A_1 = arith.constant 4 : i32
    %mul3A_2 = arith.muli %add3A, %mul3A_1 : i32
    %add3A_3 = arith.constant 0 : i32
    %add3A_4 = arith.addi %mul3A_2, %add3A_3 : i32
    %run_scoped3A = arith.constant 0 : i32
    "tpu.region"() ({
      %run_scoped3A_64 = tpu.sem_alloc : memref<!tpu.dma_semaphore, #tpu.memory_space<semaphore_mem>>
      %dma_start3A = arith.constant 0 : i32
      %dma_start3A_65 = tpu.memref_slice %arg2[%add3A_4, %run_scoped3A, %dma_start3A] : memref<128x1x10112xf32, #tpu.memory_space<hbm>> -> memref<1x1x10112xf32, #tpu.memory_space<hbm>>
      %dma_start3A_66 = tpu.memref_squeeze %dma_start3A_65 : memref<1x1x10112xf32, #tpu.memory_space<hbm>> -> memref<10112xf32, #tpu.memory_space<hbm>>
      %dma_start3A_67 = arith.constant 0 : i32
      %dma_start3A_68 = tpu.memref_slice %arg2[%add3A_4, %run_scoped3A, %dma_start3A_67] : memref<128x1x10112xf32, #tpu.memory_space<hbm>> -> memref<1x1x10112xf32, #tpu.memory_space<hbm>>
      %dma_start3A_69 = tpu.memref_squeeze %dma_start3A_68 : memref<1x1x10112xf32, #tpu.memory_space<hbm>> -> memref<10112xf32, #tpu.memory_space<hbm>>
      tpu.enqueue_dma source(%dma_start3A_69 : memref<10112xf32, #tpu.memory_space<hbm>>) target(%arg8 : memref<10112xf32, #tpu.memory_space<vmem>>) target_semaphore(%run_scoped3A_64 : memref<!tpu.dma_semaphore, #tpu.memory_space<semaphore_mem>>)
      %dma_wait3A = arith.constant 0 : i32
      %dma_wait3A_70 = tpu.memref_slice %arg2[%add3A_4, %run_scoped3A, %dma_wait3A] : memref<128x1x10112xf32, #tpu.memory_space<hbm>> -> memref<1x1x10112xf32, #tpu.memory_space<hbm>>
      %dma_wait3A_71 = tpu.memref_squeeze %dma_wait3A_70 : memref<1x1x10112xf32, #tpu.memory_space<hbm>> -> memref<10112xf32, #tpu.memory_space<hbm>>
      %dma_wait3A_72 = arith.constant 0 : i32
      %dma_wait3A_73 = tpu.memref_slice %arg2[%add3A_4, %run_scoped3A, %dma_wait3A_72] : memref<128x1x10112xf32, #tpu.memory_space<hbm>> -> memref<1x1x10112xf32, #tpu.memory_space<hbm>>
      %dma_wait3A_74 = tpu.memref_squeeze %dma_wait3A_73 : memref<1x1x10112xf32, #tpu.memory_space<hbm>> -> memref<10112xf32, #tpu.memory_space<hbm>>
      tpu.wait_dma2 semaphore(%run_scoped3A_64 : memref<!tpu.dma_semaphore, #tpu.memory_space<semaphore_mem>>) src(%dma_wait3A_74 : memref<10112xf32, #tpu.memory_space<hbm>>) dst(%arg8 : memref<10112xf32, #tpu.memory_space<vmem>>)
      tpu.yield
    }) : () -> ()
    "tpu.region"() ({
      %run_scoped3A_64 = tpu.sem_alloc : memref<!tpu.dma_semaphore, #tpu.memory_space<semaphore_mem>>
      tpu.enqueue_dma source(%arg5 : memref<10240xf32, #tpu.memory_space<hbm>>) target(%arg12 : memref<10240xf32, #tpu.memory_space<vmem>>) target_semaphore(%run_scoped3A_64 : memref<!tpu.dma_semaphore, #tpu.memory_space<semaphore_mem>>)
      tpu.wait_dma2 semaphore(%run_scoped3A_64 : memref<!tpu.dma_semaphore, #tpu.memory_space<semaphore_mem>>) src(%arg5 : memref<10240xf32, #tpu.memory_space<hbm>>) dst(%arg12 : memref<10240xf32, #tpu.memory_space<vmem>>)
      tpu.yield
    }) : () -> ()
    %mul3A_5 = arith.constant 4 : i32
    %mul3A_6 = arith.muli %add3A, %mul3A_5 : i32
    %add3A_7 = arith.constant 1 : i32
    %add3A_8 = arith.addi %mul3A_6, %add3A_7 : i32
    %run_scoped3A_9 = arith.constant 0 : i32
    "tpu.region"() ({
      %run_scoped3A_64 = tpu.sem_alloc : memref<!tpu.dma_semaphore, #tpu.memory_space<semaphore_mem>>
      %dma_start3A = arith.constant 0 : i32
      %dma_start3A_65 = tpu.memref_slice %arg2[%add3A_8, %run_scoped3A_9, %dma_start3A] : memref<128x1x10112xf32, #tpu.memory_space<hbm>> -> memref<1x1x10112xf32, #tpu.memory_space<hbm>>
      %dma_start3A_66 = tpu.memref_squeeze %dma_start3A_65 : memref<1x1x10112xf32, #tpu.memory_space<hbm>> -> memref<10112xf32, #tpu.memory_space<hbm>>
      %dma_start3A_67 = arith.constant 0 : i32
      %dma_start3A_68 = tpu.memref_slice %arg2[%add3A_8, %run_scoped3A_9, %dma_start3A_67] : memref<128x1x10112xf32, #tpu.memory_space<hbm>> -> memref<1x1x10112xf32, #tpu.memory_space<hbm>>
      %dma_start3A_69 = tpu.memref_squeeze %dma_start3A_68 : memref<1x1x10112xf32, #tpu.memory_space<hbm>> -> memref<10112xf32, #tpu.memory_space<hbm>>
      tpu.enqueue_dma source(%dma_start3A_69 : memref<10112xf32, #tpu.memory_space<hbm>>) target(%arg9 : memref<10112xf32, #tpu.memory_space<vmem>>) target_semaphore(%run_scoped3A_64 : memref<!tpu.dma_semaphore, #tpu.memory_space<semaphore_mem>>)
      %dma_wait3A = arith.constant 0 : i32
      %dma_wait3A_70 = tpu.memref_slice %arg2[%add3A_8, %run_scoped3A_9, %dma_wait3A] : memref<128x1x10112xf32, #tpu.memory_space<hbm>> -> memref<1x1x10112xf32, #tpu.memory_space<hbm>>
      %dma_wait3A_71 = tpu.memref_squeeze %dma_wait3A_70 : memref<1x1x10112xf32, #tpu.memory_space<hbm>> -> memref<10112xf32, #tpu.memory_space<hbm>>
      %dma_wait3A_72 = arith.constant 0 : i32
      %dma_wait3A_73 = tpu.memref_slice %arg2[%add3A_8, %run_scoped3A_9, %dma_wait3A_72] : memref<128x1x10112xf32, #tpu.memory_space<hbm>> -> memref<1x1x10112xf32, #tpu.memory_space<hbm>>
      %dma_wait3A_74 = tpu.memref_squeeze %dma_wait3A_73 : memref<1x1x10112xf32, #tpu.memory_space<hbm>> -> memref<10112xf32, #tpu.memory_space<hbm>>
      tpu.wait_dma2 semaphore(%run_scoped3A_64 : memref<!tpu.dma_semaphore, #tpu.memory_space<semaphore_mem>>) src(%dma_wait3A_74 : memref<10112xf32, #tpu.memory_space<hbm>>) dst(%arg9 : memref<10112xf32, #tpu.memory_space<vmem>>)
      tpu.yield
    }) : () -> ()
    "tpu.region"() ({
      %run_scoped3A_64 = tpu.sem_alloc : memref<!tpu.dma_semaphore, #tpu.memory_space<semaphore_mem>>
      tpu.enqueue_dma source(%arg5 : memref<10240xf32, #tpu.memory_space<hbm>>) target(%arg13 : memref<10240xf32, #tpu.memory_space<vmem>>) target_semaphore(%run_scoped3A_64 : memref<!tpu.dma_semaphore, #tpu.memory_space<semaphore_mem>>)
      tpu.wait_dma2 semaphore(%run_scoped3A_64 : memref<!tpu.dma_semaphore, #tpu.memory_space<semaphore_mem>>) src(%arg5 : memref<10240xf32, #tpu.memory_space<hbm>>) dst(%arg13 : memref<10240xf32, #tpu.memory_space<vmem>>)
      tpu.yield
    }) : () -> ()
    %mul3A_10 = arith.constant 4 : i32
    %mul3A_11 = arith.muli %add3A, %mul3A_10 : i32
    %add3A_12 = arith.constant 2 : i32
    %add3A_13 = arith.addi %mul3A_11, %add3A_12 : i32
    %run_scoped3A_14 = arith.constant 0 : i32
    "tpu.region"() ({
      %run_scoped3A_64 = tpu.sem_alloc : memref<!tpu.dma_semaphore, #tpu.memory_space<semaphore_mem>>
      %dma_start3A = arith.constant 0 : i32
      %dma_start3A_65 = tpu.memref_slice %arg2[%add3A_13, %run_scoped3A_14, %dma_start3A] : memref<128x1x10112xf32, #tpu.memory_space<hbm>> -> memref<1x1x10112xf32, #tpu.memory_space<hbm>>
      %dma_start3A_66 = tpu.memref_squeeze %dma_start3A_65 : memref<1x1x10112xf32, #tpu.memory_space<hbm>> -> memref<10112xf32, #tpu.memory_space<hbm>>
      %dma_start3A_67 = arith.constant 0 : i32
      %dma_start3A_68 = tpu.memref_slice %arg2[%add3A_13, %run_scoped3A_14, %dma_start3A_67] : memref<128x1x10112xf32, #tpu.memory_space<hbm>> -> memref<1x1x10112xf32, #tpu.memory_space<hbm>>
      %dma_start3A_69 = tpu.memref_squeeze %dma_start3A_68 : memref<1x1x10112xf32, #tpu.memory_space<hbm>> -> memref<10112xf32, #tpu.memory_space<hbm>>
      tpu.enqueue_dma source(%dma_start3A_69 : memref<10112xf32, #tpu.memory_space<hbm>>) target(%arg10 : memref<10112xf32, #tpu.memory_space<vmem>>) target_semaphore(%run_scoped3A_64 : memref<!tpu.dma_semaphore, #tpu.memory_space<semaphore_mem>>)
      %dma_wait3A = arith.constant 0 : i32
      %dma_wait3A_70 = tpu.memref_slice %arg2[%add3A_13, %run_scoped3A_14, %dma_wait3A] : memref<128x1x10112xf32, #tpu.memory_space<hbm>> -> memref<1x1x10112xf32, #tpu.memory_space<hbm>>
      %dma_wait3A_71 = tpu.memref_squeeze %dma_wait3A_70 : memref<1x1x10112xf32, #tpu.memory_space<hbm>> -> memref<10112xf32, #tpu.memory_space<hbm>>
      %dma_wait3A_72 = arith.constant 0 : i32
      %dma_wait3A_73 = tpu.memref_slice %arg2[%add3A_13, %run_scoped3A_14, %dma_wait3A_72] : memref<128x1x10112xf32, #tpu.memory_space<hbm>> -> memref<1x1x10112xf32, #tpu.memory_space<hbm>>
      %dma_wait3A_74 = tpu.memref_squeeze %dma_wait3A_73 : memref<1x1x10112xf32, #tpu.memory_space<hbm>> -> memref<10112xf32, #tpu.memory_space<hbm>>
      tpu.wait_dma2 semaphore(%run_scoped3A_64 : memref<!tpu.dma_semaphore, #tpu.memory_space<semaphore_mem>>) src(%dma_wait3A_74 : memref<10112xf32, #tpu.memory_space<hbm>>) dst(%arg10 : memref<10112xf32, #tpu.memory_space<vmem>>)
      tpu.yield
    }) : () -> ()
    "tpu.region"() ({
      %run_scoped3A_64 = tpu.sem_alloc : memref<!tpu.dma_semaphore, #tpu.memory_space<semaphore_mem>>
      tpu.enqueue_dma source(%arg5 : memref<10240xf32, #tpu.memory_space<hbm>>) target(%arg14 : memref<10240xf32, #tpu.memory_space<vmem>>) target_semaphore(%run_scoped3A_64 : memref<!tpu.dma_semaphore, #tpu.memory_space<semaphore_mem>>)
      tpu.wait_dma2 semaphore(%run_scoped3A_64 : memref<!tpu.dma_semaphore, #tpu.memory_space<semaphore_mem>>) src(%arg5 : memref<10240xf32, #tpu.memory_space<hbm>>) dst(%arg14 : memref<10240xf32, #tpu.memory_space<vmem>>)
      tpu.yield
    }) : () -> ()
    %mul3A_15 = arith.constant 4 : i32
    %mul3A_16 = arith.muli %add3A, %mul3A_15 : i32
    %add3A_17 = arith.constant 3 : i32
    %add3A_18 = arith.addi %mul3A_16, %add3A_17 : i32
    %run_scoped3A_19 = arith.constant 0 : i32
    "tpu.region"() ({
      %run_scoped3A_64 = tpu.sem_alloc : memref<!tpu.dma_semaphore, #tpu.memory_space<semaphore_mem>>
      %dma_start3A = arith.constant 0 : i32
      %dma_start3A_65 = tpu.memref_slice %arg2[%add3A_18, %run_scoped3A_19, %dma_start3A] : memref<128x1x10112xf32, #tpu.memory_space<hbm>> -> memref<1x1x10112xf32, #tpu.memory_space<hbm>>
      %dma_start3A_66 = tpu.memref_squeeze %dma_start3A_65 : memref<1x1x10112xf32, #tpu.memory_space<hbm>> -> memref<10112xf32, #tpu.memory_space<hbm>>
      %dma_start3A_67 = arith.constant 0 : i32
      %dma_start3A_68 = tpu.memref_slice %arg2[%add3A_18, %run_scoped3A_19, %dma_start3A_67] : memref<128x1x10112xf32, #tpu.memory_space<hbm>> -> memref<1x1x10112xf32, #tpu.memory_space<hbm>>
      %dma_start3A_69 = tpu.memref_squeeze %dma_start3A_68 : memref<1x1x10112xf32, #tpu.memory_space<hbm>> -> memref<10112xf32, #tpu.memory_space<hbm>>
      tpu.enqueue_dma source(%dma_start3A_69 : memref<10112xf32, #tpu.memory_space<hbm>>) target(%arg11 : memref<10112xf32, #tpu.memory_space<vmem>>) target_semaphore(%run_scoped3A_64 : memref<!tpu.dma_semaphore, #tpu.memory_space<semaphore_mem>>)
      %dma_wait3A = arith.constant 0 : i32
      %dma_wait3A_70 = tpu.memref_slice %arg2[%add3A_18, %run_scoped3A_19, %dma_wait3A] : memref<128x1x10112xf32, #tpu.memory_space<hbm>> -> memref<1x1x10112xf32, #tpu.memory_space<hbm>>
      %dma_wait3A_71 = tpu.memref_squeeze %dma_wait3A_70 : memref<1x1x10112xf32, #tpu.memory_space<hbm>> -> memref<10112xf32, #tpu.memory_space<hbm>>
      %dma_wait3A_72 = arith.constant 0 : i32
      %dma_wait3A_73 = tpu.memref_slice %arg2[%add3A_18, %run_scoped3A_19, %dma_wait3A_72] : memref<128x1x10112xf32, #tpu.memory_space<hbm>> -> memref<1x1x10112xf32, #tpu.memory_space<hbm>>
      %dma_wait3A_74 = tpu.memref_squeeze %dma_wait3A_73 : memref<1x1x10112xf32, #tpu.memory_space<hbm>> -> memref<10112xf32, #tpu.memory_space<hbm>>
      tpu.wait_dma2 semaphore(%run_scoped3A_64 : memref<!tpu.dma_semaphore, #tpu.memory_space<semaphore_mem>>) src(%dma_wait3A_74 : memref<10112xf32, #tpu.memory_space<hbm>>) dst(%arg11 : memref<10112xf32, #tpu.memory_space<vmem>>)
      tpu.yield
    }) : () -> ()
    "tpu.region"() ({
      %run_scoped3A_64 = tpu.sem_alloc : memref<!tpu.dma_semaphore, #tpu.memory_space<semaphore_mem>>
      tpu.enqueue_dma source(%arg5 : memref<10240xf32, #tpu.memory_space<hbm>>) target(%arg15 : memref<10240xf32, #tpu.memory_space<vmem>>) target_semaphore(%run_scoped3A_64 : memref<!tpu.dma_semaphore, #tpu.memory_space<semaphore_mem>>)
      tpu.wait_dma2 semaphore(%run_scoped3A_64 : memref<!tpu.dma_semaphore, #tpu.memory_space<semaphore_mem>>) src(%arg5 : memref<10240xf32, #tpu.memory_space<hbm>>) dst(%arg15 : memref<10240xf32, #tpu.memory_space<vmem>>)
      tpu.yield
    }) : () -> ()
    %scan3A = arith.constant 0 : i32
    %scan3A_20 = arith.constant 0 : i32
    %scan3A_21 = arith.constant 32 : i32
    %scan3A_22 = arith.addi %scan3A_20, %scan3A_21 : i32
    %scan3A_23 = arith.constant 1 : i32
    %scan3A_24 = scf.for %scan3A_64 = %scan3A_20 to %scan3A_22 step %scan3A_23 iter_args(%scan3A_65 = %scan3A) -> (i32)  : i32 {
      %mul3A_66 = arith.constant 40 : i32
      %mul3A_67 = arith.muli %scan3A_64, %mul3A_66 : i32
      "tpu.region"() ({
        %run_scoped3A_78 = tpu.sem_alloc : memref<!tpu.dma_semaphore, #tpu.memory_space<semaphore_mem>>
        %dma_start3A = arith.constant 0 : i32
        %dma_start3A_79 = tpu.memref_slice %arg3[%mul3A_67, %dma_start3A] : memref<1280x128xi32, #tpu.memory_space<hbm>> -> memref<40x128xi32, #tpu.memory_space<hbm>>
        %dma_start3A_80 = arith.constant 0 : i32
        %dma_start3A_81 = tpu.memref_slice %arg3[%mul3A_67, %dma_start3A_80] : memref<1280x128xi32, #tpu.memory_space<hbm>> -> memref<40x128xi32, #tpu.memory_space<hbm>>
        tpu.enqueue_dma source(%dma_start3A_81 : memref<40x128xi32, #tpu.memory_space<hbm>>) target(%arg17 : memref<40x128xi32, #tpu.memory_space<vmem>>) target_semaphore(%run_scoped3A_78 : memref<!tpu.dma_semaphore, #tpu.memory_space<semaphore_mem>>)
        %dma_wait3A = arith.constant 0 : i32
        %dma_wait3A_82 = tpu.memref_slice %arg3[%mul3A_67, %dma_wait3A] : memref<1280x128xi32, #tpu.memory_space<hbm>> -> memref<40x128xi32, #tpu.memory_space<hbm>>
        %dma_wait3A_83 = arith.constant 0 : i32
        %dma_wait3A_84 = tpu.memref_slice %arg3[%mul3A_67, %dma_wait3A_83] : memref<1280x128xi32, #tpu.memory_space<hbm>> -> memref<40x128xi32, #tpu.memory_space<hbm>>
        tpu.wait_dma2 semaphore(%run_scoped3A_78 : memref<!tpu.dma_semaphore, #tpu.memory_space<semaphore_mem>>) src(%dma_wait3A_84 : memref<40x128xi32, #tpu.memory_space<hbm>>) dst(%arg17 : memref<40x128xi32, #tpu.memory_space<vmem>>)
        tpu.yield
      }) : () -> ()
      %mul3A_68 = arith.constant 40 : i32
      %mul3A_69 = arith.muli %scan3A_64, %mul3A_68 : i32
      "tpu.region"() ({
        %run_scoped3A_78 = tpu.sem_alloc : memref<!tpu.dma_semaphore, #tpu.memory_space<semaphore_mem>>
        %dma_start3A = arith.constant 0 : i32
        %dma_start3A_79 = tpu.memref_slice %arg4[%mul3A_69, %dma_start3A] : memref<1280x128xi32, #tpu.memory_space<hbm>> -> memref<40x128xi32, #tpu.memory_space<hbm>>
        %dma_start3A_80 = arith.constant 0 : i32
        %dma_start3A_81 = tpu.memref_slice %arg4[%mul3A_69, %dma_start3A_80] : memref<1280x128xi32, #tpu.memory_space<hbm>> -> memref<40x128xi32, #tpu.memory_space<hbm>>
        tpu.enqueue_dma source(%dma_start3A_81 : memref<40x128xi32, #tpu.memory_space<hbm>>) target(%arg18 : memref<40x128xi32, #tpu.memory_space<vmem>>) target_semaphore(%run_scoped3A_78 : memref<!tpu.dma_semaphore, #tpu.memory_space<semaphore_mem>>)
        %dma_wait3A = arith.constant 0 : i32
        %dma_wait3A_82 = tpu.memref_slice %arg4[%mul3A_69, %dma_wait3A] : memref<1280x128xi32, #tpu.memory_space<hbm>> -> memref<40x128xi32, #tpu.memory_space<hbm>>
        %dma_wait3A_83 = arith.constant 0 : i32
        %dma_wait3A_84 = tpu.memref_slice %arg4[%mul3A_69, %dma_wait3A_83] : memref<1280x128xi32, #tpu.memory_space<hbm>> -> memref<40x128xi32, #tpu.memory_space<hbm>>
        tpu.wait_dma2 semaphore(%run_scoped3A_78 : memref<!tpu.dma_semaphore, #tpu.memory_space<semaphore_mem>>) src(%dma_wait3A_84 : memref<40x128xi32, #tpu.memory_space<hbm>>) dst(%arg18 : memref<40x128xi32, #tpu.memory_space<vmem>>)
        tpu.yield
      }) : () -> ()
      %scan3A_70 = arith.constant 0 : i32
      %scan3A_71 = arith.constant 0 : i32
      %scan3A_72 = arith.constant 40 : i32
      %scan3A_73 = arith.addi %scan3A_71, %scan3A_72 : i32
      %scan3A_74 = arith.constant 1 : i32
      %scan3A_75 = scf.for %scan3A_78 = %scan3A_71 to %scan3A_73 step %scan3A_74 iter_args(%scan3A_79 = %scan3A_70) -> (i32)  : i32 {
        %get3A = arith.index_cast %scan3A_78 : i32 to index
        %get3A_80 = arith.constant 0 : index
        %get3A_81 = tpu.vector_load %arg17[%get3A, %get3A_80] {strides = array<i32>} : memref<40x128xi32, #tpu.memory_space<vmem>>, vector<16xi32>,
        %get3A_82 = arith.index_cast %scan3A_78 : i32 to index
        %get3A_83 = arith.constant 0 : index
        %get3A_84 = tpu.vector_load %arg18[%get3A_82, %get3A_83] {strides = array<i32>} : memref<40x128xi32, #tpu.memory_space<vmem>>, vector<16xi32>,
        %gather3A = tpu.vector_load_idx %arg8[%get3A_84] : memref<10112xf32, #tpu.memory_space<vmem>>[vector<16xi32>], vector<16xf32>,
        tpu.vector_store_idx %arg12[%get3A_81], %gather3A {add = true} : memref<10240xf32, #tpu.memory_space<vmem>>[vector<16xi32>], vector<16xf32>,
        %gather3A_85 = tpu.vector_load_idx %arg9[%get3A_84] : memref<10112xf32, #tpu.memory_space<vmem>>[vector<16xi32>], vector<16xf32>,
        tpu.vector_store_idx %arg13[%get3A_81], %gather3A_85 {add = true} : memref<10240xf32, #tpu.memory_space<vmem>>[vector<16xi32>], vector<16xf32>,
        %gather3A_86 = tpu.vector_load_idx %arg10[%get3A_84] : memref<10112xf32, #tpu.memory_space<vmem>>[vector<16xi32>], vector<16xf32>,
        tpu.vector_store_idx %arg14[%get3A_81], %gather3A_86 {add = true} : memref<10240xf32, #tpu.memory_space<vmem>>[vector<16xi32>], vector<16xf32>,
        %gather3A_87 = tpu.vector_load_idx %arg11[%get3A_84] : memref<10112xf32, #tpu.memory_space<vmem>>[vector<16xi32>], vector<16xf32>,
        tpu.vector_store_idx %arg15[%get3A_81], %gather3A_87 {add = true} : memref<10240xf32, #tpu.memory_space<vmem>>[vector<16xi32>], vector<16xf32>,
        %get3A_88 = arith.index_cast %scan3A_78 : i32 to index
        %get3A_89 = arith.constant 16 : index
        %get3A_90 = tpu.vector_load %arg17[%get3A_88, %get3A_89] {strides = array<i32>} : memref<40x128xi32, #tpu.memory_space<vmem>>, vector<16xi32>,
        %get3A_91 = arith.index_cast %scan3A_78 : i32 to index
        %get3A_92 = arith.constant 16 : index
        %get3A_93 = tpu.vector_load %arg18[%get3A_91, %get3A_92] {strides = array<i32>} : memref<40x128xi32, #tpu.memory_space<vmem>>, vector<16xi32>,
        %gather3A_94 = tpu.vector_load_idx %arg8[%get3A_93] : memref<10112xf32, #tpu.memory_space<vmem>>[vector<16xi32>], vector<16xf32>,
        tpu.vector_store_idx %arg12[%get3A_90], %gather3A_94 {add = true} : memref<10240xf32, #tpu.memory_space<vmem>>[vector<16xi32>], vector<16xf32>,
        %gather3A_95 = tpu.vector_load_idx %arg9[%get3A_93] : memref<10112xf32, #tpu.memory_space<vmem>>[vector<16xi32>], vector<16xf32>,
        tpu.vector_store_idx %arg13[%get3A_90], %gather3A_95 {add = true} : memref<10240xf32, #tpu.memory_space<vmem>>[vector<16xi32>], vector<16xf32>,
        %gather3A_96 = tpu.vector_load_idx %arg10[%get3A_93] : memref<10112xf32, #tpu.memory_space<vmem>>[vector<16xi32>], vector<16xf32>,
        tpu.vector_store_idx %arg14[%get3A_90], %gather3A_96 {add = true} : memref<10240xf32, #tpu.memory_space<vmem>>[vector<16xi32>], vector<16xf32>,
        %gather3A_97 = tpu.vector_load_idx %arg11[%get3A_93] : memref<10112xf32, #tpu.memory_space<vmem>>[vector<16xi32>], vector<16xf32>,
        tpu.vector_store_idx %arg15[%get3A_90], %gather3A_97 {add = true} : memref<10240xf32, #tpu.memory_space<vmem>>[vector<16xi32>], vector<16xf32>,
        %get3A_98 = arith.index_cast %scan3A_78 : i32 to index
        %get3A_99 = arith.constant 32 : index
        %get3A_100 = tpu.vector_load %arg17[%get3A_98, %get3A_99] {strides = array<i32>} : memref<40x128xi32, #tpu.memory_space<vmem>>, vector<16xi32>,
        %get3A_101 = arith.index_cast %scan3A_78 : i32 to index
        %get3A_102 = arith.constant 32 : index
        %get3A_103 = tpu.vector_load %arg18[%get3A_101, %get3A_102] {strides = array<i32>} : memref<40x128xi32, #tpu.memory_space<vmem>>, vector<16xi32>,
        %gather3A_104 = tpu.vector_load_idx %arg8[%get3A_103] : memref<10112xf32, #tpu.memory_space<vmem>>[vector<16xi32>], vector<16xf32>,
        tpu.vector_store_idx %arg12[%get3A_100], %gather3A_104 {add = true} : memref<10240xf32, #tpu.memory_space<vmem>>[vector<16xi32>], vector<16xf32>,
        %gather3A_105 = tpu.vector_load_idx %arg9[%get3A_103] : memref<10112xf32, #tpu.memory_space<vmem>>[vector<16xi32>], vector<16xf32>,
        tpu.vector_store_idx %arg13[%get3A_100], %gather3A_105 {add = true} : memref<10240xf32, #tpu.memory_space<vmem>>[vector<16xi32>], vector<16xf32>,
        %gather3A_106 = tpu.vector_load_idx %arg10[%get3A_103] : memref<10112xf32, #tpu.memory_space<vmem>>[vector<16xi32>], vector<16xf32>,
        tpu.vector_store_idx %arg14[%get3A_100], %gather3A_106 {add = true} : memref<10240xf32, #tpu.memory_space<vmem>>[vector<16xi32>], vector<16xf32>,
        %gather3A_107 = tpu.vector_load_idx %arg11[%get3A_103] : memref<10112xf32, #tpu.memory_space<vmem>>[vector<16xi32>], vector<16xf32>,
        tpu.vector_store_idx %arg15[%get3A_100], %gather3A_107 {add = true} : memref<10240xf32, #tpu.memory_space<vmem>>[vector<16xi32>], vector<16xf32>,
        %get3A_108 = arith.index_cast %scan3A_78 : i32 to index
        %get3A_109 = arith.constant 48 : index
        %get3A_110 = tpu.vector_load %arg17[%get3A_108, %get3A_109] {strides = array<i32>} : memref<40x128xi32, #tpu.memory_space<vmem>>, vector<16xi32>,
        %get3A_111 = arith.index_cast %scan3A_78 : i32 to index
        %get3A_112 = arith.constant 48 : index
        %get3A_113 = tpu.vector_load %arg18[%get3A_111, %get3A_112] {strides = array<i32>} : memref<40x128xi32, #tpu.memory_space<vmem>>, vector<16xi32>,
        %gather3A_114 = tpu.vector_load_idx %arg8[%get3A_113] : memref<10112xf32, #tpu.memory_space<vmem>>[vector<16xi32>], vector<16xf32>,
        tpu.vector_store_idx %arg12[%get3A_110], %gather3A_114 {add = true} : memref<10240xf32, #tpu.memory_space<vmem>>[vector<16xi32>], vector<16xf32>,
        %gather3A_115 = tpu.vector_load_idx %arg9[%get3A_113] : memref<10112xf32, #tpu.memory_space<vmem>>[vector<16xi32>], vector<16xf32>,
        tpu.vector_store_idx %arg13[%get3A_110], %gather3A_115 {add = true} : memref<10240xf32, #tpu.memory_space<vmem>>[vector<16xi32>], vector<16xf32>,
        %gather3A_116 = tpu.vector_load_idx %arg10[%get3A_113] : memref<10112xf32, #tpu.memory_space<vmem>>[vector<16xi32>], vector<16xf32>,
        tpu.vector_store_idx %arg14[%get3A_110], %gather3A_116 {add = true} : memref<10240xf32, #tpu.memory_space<vmem>>[vector<16xi32>], vector<16xf32>,
        %gather3A_117 = tpu.vector_load_idx %arg11[%get3A_113] : memref<10112xf32, #tpu.memory_space<vmem>>[vector<16xi32>], vector<16xf32>,
        tpu.vector_store_idx %arg15[%get3A_110], %gather3A_117 {add = true} : memref<10240xf32, #tpu.memory_space<vmem>>[vector<16xi32>], vector<16xf32>,
        %get3A_118 = arith.index_cast %scan3A_78 : i32 to index
        %get3A_119 = arith.constant 64 : index
        %get3A_120 = tpu.vector_load %arg17[%get3A_118, %get3A_119] {strides = array<i32>} : memref<40x128xi32, #tpu.memory_space<vmem>>, vector<16xi32>,
        %get3A_121 = arith.index_cast %scan3A_78 : i32 to index
        %get3A_122 = arith.constant 64 : index
        %get3A_123 = tpu.vector_load %arg18[%get3A_121, %get3A_122] {strides = array<i32>} : memref<40x128xi32, #tpu.memory_space<vmem>>, vector<16xi32>,
        %gather3A_124 = tpu.vector_load_idx %arg8[%get3A_123] : memref<10112xf32, #tpu.memory_space<vmem>>[vector<16xi32>], vector<16xf32>,
        tpu.vector_store_idx %arg12[%get3A_120], %gather3A_124 {add = true} : memref<10240xf32, #tpu.memory_space<vmem>>[vector<16xi32>], vector<16xf32>,
        %gather3A_125 = tpu.vector_load_idx %arg9[%get3A_123] : memref<10112xf32, #tpu.memory_space<vmem>>[vector<16xi32>], vector<16xf32>,
        tpu.vector_store_idx %arg13[%get3A_120], %gather3A_125 {add = true} : memref<10240xf32, #tpu.memory_space<vmem>>[vector<16xi32>], vector<16xf32>,
        %gather3A_126 = tpu.vector_load_idx %arg10[%get3A_123] : memref<10112xf32, #tpu.memory_space<vmem>>[vector<16xi32>], vector<16xf32>,
        tpu.vector_store_idx %arg14[%get3A_120], %gather3A_126 {add = true} : memref<10240xf32, #tpu.memory_space<vmem>>[vector<16xi32>], vector<16xf32>,
        %gather3A_127 = tpu.vector_load_idx %arg11[%get3A_123] : memref<10112xf32, #tpu.memory_space<vmem>>[vector<16xi32>], vector<16xf32>,
        tpu.vector_store_idx %arg15[%get3A_120], %gather3A_127 {add = true} : memref<10240xf32, #tpu.memory_space<vmem>>[vector<16xi32>], vector<16xf32>,
        %get3A_128 = arith.index_cast %scan3A_78 : i32 to index
        %get3A_129 = arith.constant 80 : index
        %get3A_130 = tpu.vector_load %arg17[%get3A_128, %get3A_129] {strides = array<i32>} : memref<40x128xi32, #tpu.memory_space<vmem>>, vector<16xi32>,
        %get3A_131 = arith.index_cast %scan3A_78 : i32 to index
        %get3A_132 = arith.constant 80 : index
        %get3A_133 = tpu.vector_load %arg18[%get3A_131, %get3A_132] {strides = array<i32>} : memref<40x128xi32, #tpu.memory_space<vmem>>, vector<16xi32>,
        %gather3A_134 = tpu.vector_load_idx %arg8[%get3A_133] : memref<10112xf32, #tpu.memory_space<vmem>>[vector<16xi32>], vector<16xf32>,
        tpu.vector_store_idx %arg12[%get3A_130], %gather3A_134 {add = true} : memref<10240xf32, #tpu.memory_space<vmem>>[vector<16xi32>], vector<16xf32>,
        %gather3A_135 = tpu.vector_load_idx %arg9[%get3A_133] : memref<10112xf32, #tpu.memory_space<vmem>>[vector<16xi32>], vector<16xf32>,
        tpu.vector_store_idx %arg13[%get3A_130], %gather3A_135 {add = true} : memref<10240xf32, #tpu.memory_space<vmem>>[vector<16xi32>], vector<16xf32>,
        %gather3A_136 = tpu.vector_load_idx %arg10[%get3A_133] : memref<10112xf32, #tpu.memory_space<vmem>>[vector<16xi32>], vector<16xf32>,
        tpu.vector_store_idx %arg14[%get3A_130], %gather3A_136 {add = true} : memref<10240xf32, #tpu.memory_space<vmem>>[vector<16xi32>], vector<16xf32>,
        %gather3A_137 = tpu.vector_load_idx %arg11[%get3A_133] : memref<10112xf32, #tpu.memory_space<vmem>>[vector<16xi32>], vector<16xf32>,
        tpu.vector_store_idx %arg15[%get3A_130], %gather3A_137 {add = true} : memref<10240xf32, #tpu.memory_space<vmem>>[vector<16xi32>], vector<16xf32>,
        %get3A_138 = arith.index_cast %scan3A_78 : i32 to index
        %get3A_139 = arith.constant 96 : index
        %get3A_140 = tpu.vector_load %arg17[%get3A_138, %get3A_139] {strides = array<i32>} : memref<40x128xi32, #tpu.memory_space<vmem>>, vector<16xi32>,
        %get3A_141 = arith.index_cast %scan3A_78 : i32 to index
        %get3A_142 = arith.constant 96 : index
        %get3A_143 = tpu.vector_load %arg18[%get3A_141, %get3A_142] {strides = array<i32>} : memref<40x128xi32, #tpu.memory_space<vmem>>, vector<16xi32>,
        %gather3A_144 = tpu.vector_load_idx %arg8[%get3A_143] : memref<10112xf32, #tpu.memory_space<vmem>>[vector<16xi32>], vector<16xf32>,
        tpu.vector_store_idx %arg12[%get3A_140], %gather3A_144 {add = true} : memref<10240xf32, #tpu.memory_space<vmem>>[vector<16xi32>], vector<16xf32>,
        %gather3A_145 = tpu.vector_load_idx %arg9[%get3A_143] : memref<10112xf32, #tpu.memory_space<vmem>>[vector<16xi32>], vector<16xf32>,
        tpu.vector_store_idx %arg13[%get3A_140], %gather3A_145 {add = true} : memref<10240xf32, #tpu.memory_space<vmem>>[vector<16xi32>], vector<16xf32>,
        %gather3A_146 = tpu.vector_load_idx %arg10[%get3A_143] : memref<10112xf32, #tpu.memory_space<vmem>>[vector<16xi32>], vector<16xf32>,
        tpu.vector_store_idx %arg14[%get3A_140], %gather3A_146 {add = true} : memref<10240xf32, #tpu.memory_space<vmem>>[vector<16xi32>], vector<16xf32>,
        %gather3A_147 = tpu.vector_load_idx %arg11[%get3A_143] : memref<10112xf32, #tpu.memory_space<vmem>>[vector<16xi32>], vector<16xf32>,
        tpu.vector_store_idx %arg15[%get3A_140], %gather3A_147 {add = true} : memref<10240xf32, #tpu.memory_space<vmem>>[vector<16xi32>], vector<16xf32>,
        %get3A_148 = arith.index_cast %scan3A_78 : i32 to index
        %get3A_149 = arith.constant 112 : index
        %get3A_150 = tpu.vector_load %arg17[%get3A_148, %get3A_149] {strides = array<i32>} : memref<40x128xi32, #tpu.memory_space<vmem>>, vector<16xi32>,
        %get3A_151 = arith.index_cast %scan3A_78 : i32 to index
        %get3A_152 = arith.constant 112 : index
        %get3A_153 = tpu.vector_load %arg18[%get3A_151, %get3A_152] {strides = array<i32>} : memref<40x128xi32, #tpu.memory_space<vmem>>, vector<16xi32>,
        %gather3A_154 = tpu.vector_load_idx %arg8[%get3A_153] : memref<10112xf32, #tpu.memory_space<vmem>>[vector<16xi32>], vector<16xf32>,
        tpu.vector_store_idx %arg12[%get3A_150], %gather3A_154 {add = true} : memref<10240xf32, #tpu.memory_space<vmem>>[vector<16xi32>], vector<16xf32>,
        %gather3A_155 = tpu.vector_load_idx %arg9[%get3A_153] : memref<10112xf32, #tpu.memory_space<vmem>>[vector<16xi32>], vector<16xf32>,
        tpu.vector_store_idx %arg13[%get3A_150], %gather3A_155 {add = true} : memref<10240xf32, #tpu.memory_space<vmem>>[vector<16xi32>], vector<16xf32>,
        %gather3A_156 = tpu.vector_load_idx %arg10[%get3A_153] : memref<10112xf32, #tpu.memory_space<vmem>>[vector<16xi32>], vector<16xf32>,
        tpu.vector_store_idx %arg14[%get3A_150], %gather3A_156 {add = true} : memref<10240xf32, #tpu.memory_space<vmem>>[vector<16xi32>], vector<16xf32>,
        %gather3A_157 = tpu.vector_load_idx %arg11[%get3A_153] : memref<10112xf32, #tpu.memory_space<vmem>>[vector<16xi32>], vector<16xf32>,
        tpu.vector_store_idx %arg15[%get3A_150], %gather3A_157 {add = true} : memref<10240xf32, #tpu.memory_space<vmem>>[vector<16xi32>], vector<16xf32>,
        %scan3A_158 = arith.constant 0 : i32
        scf.yield %scan3A_158 : i32
      }
      %scan3A_76 = arith.constant 40 : i32
      %scan3A_77 = arith.constant 0 : i32
      scf.yield %scan3A_77 : i32
    }
    %scan3A_25 = arith.constant 32 : i32
    %mul3A_26 = arith.constant 4 : i32
    %mul3A_27 = arith.muli %add3A, %mul3A_26 : i32
    %add3A_28 = arith.constant 0 : i32
    %add3A_29 = arith.addi %mul3A_27, %add3A_28 : i32
    %run_scoped3A_30 = arith.constant 0 : i32
    "tpu.region"() ({
      %run_scoped3A_64 = tpu.sem_alloc : memref<!tpu.dma_semaphore, #tpu.memory_space<semaphore_mem>>
      %dma_start3A = arith.constant 0 : i32
      %dma_start3A_65 = tpu.memref_slice %arg6[%add3A_29, %run_scoped3A_30, %dma_start3A] : memref<128x1x10240xf32, #tpu.memory_space<hbm>> -> memref<1x1x10240xf32, #tpu.memory_space<hbm>>
      %dma_start3A_66 = tpu.memref_squeeze %dma_start3A_65 : memref<1x1x10240xf32, #tpu.memory_space<hbm>> -> memref<10240xf32, #tpu.memory_space<hbm>>
      %dma_start3A_67 = arith.constant 0 : i32
      %dma_start3A_68 = tpu.memref_slice %arg6[%add3A_29, %run_scoped3A_30, %dma_start3A_67] : memref<128x1x10240xf32, #tpu.memory_space<hbm>> -> memref<1x1x10240xf32, #tpu.memory_space<hbm>>
      %dma_start3A_69 = tpu.memref_squeeze %dma_start3A_68 : memref<1x1x10240xf32, #tpu.memory_space<hbm>> -> memref<10240xf32, #tpu.memory_space<hbm>>
      tpu.enqueue_dma source(%arg12 : memref<10240xf32, #tpu.memory_space<vmem>>) target(%dma_start3A_69 : memref<10240xf32, #tpu.memory_space<hbm>>) target_semaphore(%run_scoped3A_64 : memref<!tpu.dma_semaphore, #tpu.memory_space<semaphore_mem>>)
      %dma_wait3A = arith.constant 0 : i32
      %dma_wait3A_70 = tpu.memref_slice %arg6[%add3A_29, %run_scoped3A_30, %dma_wait3A] : memref<128x1x10240xf32, #tpu.memory_space<hbm>> -> memref<1x1x10240xf32, #tpu.memory_space<hbm>>
      %dma_wait3A_71 = tpu.memref_squeeze %dma_wait3A_70 : memref<1x1x10240xf32, #tpu.memory_space<hbm>> -> memref<10240xf32, #tpu.memory_space<hbm>>
      %dma_wait3A_72 = arith.constant 0 : i32
      %dma_wait3A_73 = tpu.memref_slice %arg6[%add3A_29, %run_scoped3A_30, %dma_wait3A_72] : memref<128x1x10240xf32, #tpu.memory_space<hbm>> -> memref<1x1x10240xf32, #tpu.memory_space<hbm>>
      %dma_wait3A_74 = tpu.memref_squeeze %dma_wait3A_73 : memref<1x1x10240xf32, #tpu.memory_space<hbm>> -> memref<10240xf32, #tpu.memory_space<hbm>>
      tpu.wait_dma2 semaphore(%run_scoped3A_64 : memref<!tpu.dma_semaphore, #tpu.memory_space<semaphore_mem>>) src(%arg12 : memref<10240xf32, #tpu.memory_space<vmem>>) dst(%dma_wait3A_74 : memref<10240xf32, #tpu.memory_space<hbm>>)
      tpu.yield
    }) : () -> ()
    %mul3A_31 = arith.constant 4 : i32
    %mul3A_32 = arith.muli %add3A, %mul3A_31 : i32
    %add3A_33 = arith.constant 1 : i32
    %add3A_34 = arith.addi %mul3A_32, %add3A_33 : i32
    %run_scoped3A_35 = arith.constant 0 : i32
    "tpu.region"() ({
      %run_scoped3A_64 = tpu.sem_alloc : memref<!tpu.dma_semaphore, #tpu.memory_space<semaphore_mem>>
      %dma_start3A = arith.constant 0 : i32
      %dma_start3A_65 = tpu.memref_slice %arg6[%add3A_34, %run_scoped3A_35, %dma_start3A] : memref<128x1x10240xf32, #tpu.memory_space<hbm>> -> memref<1x1x10240xf32, #tpu.memory_space<hbm>>
      %dma_start3A_66 = tpu.memref_squeeze %dma_start3A_65 : memref<1x1x10240xf32, #tpu.memory_space<hbm>> -> memref<10240xf32, #tpu.memory_space<hbm>>
      %dma_start3A_67 = arith.constant 0 : i32
      %dma_start3A_68 = tpu.memref_slice %arg6[%add3A_34, %run_scoped3A_35, %dma_start3A_67] : memref<128x1x10240xf32, #tpu.memory_space<hbm>> -> memref<1x1x10240xf32, #tpu.memory_space<hbm>>
      %dma_start3A_69 = tpu.memref_squeeze %dma_start3A_68 : memref<1x1x10240xf32, #tpu.memory_space<hbm>> -> memref<10240xf32, #tpu.memory_space<hbm>>
      tpu.enqueue_dma source(%arg13 : memref<10240xf32, #tpu.memory_space<vmem>>) target(%dma_start3A_69 : memref<10240xf32, #tpu.memory_space<hbm>>) target_semaphore(%run_scoped3A_64 : memref<!tpu.dma_semaphore, #tpu.memory_space<semaphore_mem>>)
      %dma_wait3A = arith.constant 0 : i32
      %dma_wait3A_70 = tpu.memref_slice %arg6[%add3A_34, %run_scoped3A_35, %dma_wait3A] : memref<128x1x10240xf32, #tpu.memory_space<hbm>> -> memref<1x1x10240xf32, #tpu.memory_space<hbm>>
      %dma_wait3A_71 = tpu.memref_squeeze %dma_wait3A_70 : memref<1x1x10240xf32, #tpu.memory_space<hbm>> -> memref<10240xf32, #tpu.memory_space<hbm>>
      %dma_wait3A_72 = arith.constant 0 : i32
      %dma_wait3A_73 = tpu.memref_slice %arg6[%add3A_34, %run_scoped3A_35, %dma_wait3A_72] : memref<128x1x10240xf32, #tpu.memory_space<hbm>> -> memref<1x1x10240xf32, #tpu.memory_space<hbm>>
      %dma_wait3A_74 = tpu.memref_squeeze %dma_wait3A_73 : memref<1x1x10240xf32, #tpu.memory_space<hbm>> -> memref<10240xf32, #tpu.memory_space<hbm>>
      tpu.wait_dma2 semaphore(%run_scoped3A_64 : memref<!tpu.dma_semaphore, #tpu.memory_space<semaphore_mem>>) src(%arg13 : memref<10240xf32, #tpu.memory_space<vmem>>) dst(%dma_wait3A_74 : memref<10240xf32, #tpu.memory_space<hbm>>)
      tpu.yield
    }) : () -> ()
    %mul3A_36 = arith.constant 4 : i32
    %mul3A_37 = arith.muli %add3A, %mul3A_36 : i32
    %add3A_38 = arith.constant 2 : i32
    %add3A_39 = arith.addi %mul3A_37, %add3A_38 : i32
    %run_scoped3A_40 = arith.constant 0 : i32
    "tpu.region"() ({
      %run_scoped3A_64 = tpu.sem_alloc : memref<!tpu.dma_semaphore, #tpu.memory_space<semaphore_mem>>
      %dma_start3A = arith.constant 0 : i32
      %dma_start3A_65 = tpu.memref_slice %arg6[%add3A_39, %run_scoped3A_40, %dma_start3A] : memref<128x1x10240xf32, #tpu.memory_space<hbm>> -> memref<1x1x10240xf32, #tpu.memory_space<hbm>>
      %dma_start3A_66 = tpu.memref_squeeze %dma_start3A_65 : memref<1x1x10240xf32, #tpu.memory_space<hbm>> -> memref<10240xf32, #tpu.memory_space<hbm>>
      %dma_start3A_67 = arith.constant 0 : i32
      %dma_start3A_68 = tpu.memref_slice %arg6[%add3A_39, %run_scoped3A_40, %dma_start3A_67] : memref<128x1x10240xf32, #tpu.memory_space<hbm>> -> memref<1x1x10240xf32, #tpu.memory_space<hbm>>
      %dma_start3A_69 = tpu.memref_squeeze %dma_start3A_68 : memref<1x1x10240xf32, #tpu.memory_space<hbm>> -> memref<10240xf32, #tpu.memory_space<hbm>>
      tpu.enqueue_dma source(%arg14 : memref<10240xf32, #tpu.memory_space<vmem>>) target(%dma_start3A_69 : memref<10240xf32, #tpu.memory_space<hbm>>) target_semaphore(%run_scoped3A_64 : memref<!tpu.dma_semaphore, #tpu.memory_space<semaphore_mem>>)
      %dma_wait3A = arith.constant 0 : i32
      %dma_wait3A_70 = tpu.memref_slice %arg6[%add3A_39, %run_scoped3A_40, %dma_wait3A] : memref<128x1x10240xf32, #tpu.memory_space<hbm>> -> memref<1x1x10240xf32, #tpu.memory_space<hbm>>
      %dma_wait3A_71 = tpu.memref_squeeze %dma_wait3A_70 : memref<1x1x10240xf32, #tpu.memory_space<hbm>> -> memref<10240xf32, #tpu.memory_space<hbm>>
      %dma_wait3A_72 = arith.constant 0 : i32
      %dma_wait3A_73 = tpu.memref_slice %arg6[%add3A_39, %run_scoped3A_40, %dma_wait3A_72] : memref<128x1x10240xf32, #tpu.memory_space<hbm>> -> memref<1x1x10240xf32, #tpu.memory_space<hbm>>
      %dma_wait3A_74 = tpu.memref_squeeze %dma_wait3A_73 : memref<1x1x10240xf32, #tpu.memory_space<hbm>> -> memref<10240xf32, #tpu.memory_space<hbm>>
      tpu.wait_dma2 semaphore(%run_scoped3A_64 : memref<!tpu.dma_semaphore, #tpu.memory_space<semaphore_mem>>) src(%arg14 : memref<10240xf32, #tpu.memory_space<vmem>>) dst(%dma_wait3A_74 : memref<10240xf32, #tpu.memory_space<hbm>>)
      tpu.yield
    }) : () -> ()
    %mul3A_41 = arith.constant 4 : i32
    %mul3A_42 = arith.muli %add3A, %mul3A_41 : i32
    %add3A_43 = arith.constant 3 : i32
    %add3A_44 = arith.addi %mul3A_42, %add3A_43 : i32
    %run_scoped3A_45 = arith.constant 0 : i32
    "tpu.region"() ({
      %run_scoped3A_64 = tpu.sem_alloc : memref<!tpu.dma_semaphore, #tpu.memory_space<semaphore_mem>>
      %dma_start3A = arith.constant 0 : i32
      %dma_start3A_65 = tpu.memref_slice %arg6[%add3A_44, %run_scoped3A_45, %dma_start3A] : memref<128x1x10240xf32, #tpu.memory_space<hbm>> -> memref<1x1x10240xf32, #tpu.memory_space<hbm>>
      %dma_start3A_66 = tpu.memref_squeeze %dma_start3A_65 : memref<1x1x10240xf32, #tpu.memory_space<hbm>> -> memref<10240xf32, #tpu.memory_space<hbm>>
      %dma_start3A_67 = arith.constant 0 : i32
      %dma_start3A_68 = tpu.memref_slice %arg6[%add3A_44, %run_scoped3A_45, %dma_start3A_67] : memref<128x1x10240xf32, #tpu.memory_space<hbm>> -> memref<1x1x10240xf32, #tpu.memory_space<hbm>>
      %dma_start3A_69 = tpu.memref_squeeze %dma_start3A_68 : memref<1x1x10240xf32, #tpu.memory_space<hbm>> -> memref<10240xf32, #tpu.memory_space<hbm>>
      tpu.enqueue_dma source(%arg15 : memref<10240xf32, #tpu.memory_space<vmem>>) target(%dma_start3A_69 : memref<10240xf32, #tpu.memory_space<hbm>>) target_semaphore(%run_scoped3A_64 : memref<!tpu.dma_semaphore, #tpu.memory_space<semaphore_mem>>)
      %dma_wait3A = arith.constant 0 : i32
      %dma_wait3A_70 = tpu.memref_slice %arg6[%add3A_44, %run_scoped3A_45, %dma_wait3A] : memref<128x1x10240xf32, #tpu.memory_space<hbm>> -> memref<1x1x10240xf32, #tpu.memory_space<hbm>>
      %dma_wait3A_71 = tpu.memref_squeeze %dma_wait3A_70 : memref<1x1x10240xf32, #tpu.memory_space<hbm>> -> memref<10240xf32, #tpu.memory_space<hbm>>
      %dma_wait3A_72 = arith.constant 0 : i32
      %dma_wait3A_73 = tpu.memref_slice %arg6[%add3A_44, %run_scoped3A_45, %dma_wait3A_72] : memref<128x1x10240xf32, #tpu.memory_space<hbm>> -> memref<1x1x10240xf32, #tpu.memory_space<hbm>>
      %dma_wait3A_74 = tpu.memref_squeeze %dma_wait3A_73 : memref<1x1x10240xf32, #tpu.memory_space<hbm>> -> memref<10240xf32, #tpu.memory_space<hbm>>
      tpu.wait_dma2 semaphore(%run_scoped3A_64 : memref<!tpu.dma_semaphore, #tpu.memory_space<semaphore_mem>>) src(%arg15 : memref<10240xf32, #tpu.memory_space<vmem>>) dst(%dma_wait3A_74 : memref<10240xf32, #tpu.memory_space<hbm>>)
      tpu.yield
    }) : () -> ()
    %broadcast_in_dim3A = arith.constant 1.000000e+00 : f32
    %broadcast_in_dim3A_46 = vector.broadcast %broadcast_in_dim3A : f32 to vector<16xf32>
    %scan3A_47 = arith.constant 0 : i32
    %scan3A_48 = arith.constant 0 : i32
    %scan3A_49 = arith.constant 640 : i32
    %scan3A_50 = arith.addi %scan3A_48, %scan3A_49 : i32
    %scan3A_51 = arith.constant 1 : i32
    %scan3A_52 = scf.for %scan3A_64 = %scan3A_48 to %scan3A_50 step %scan3A_51 iter_args(%scan3A_65 = %scan3A_47) -> (i32)  : i32 {
      %broadcast_in_dim3A_66 = arith.constant 0.000000e+00 : f32
      %broadcast_in_dim3A_67 = vector.broadcast %broadcast_in_dim3A_66 : f32 to vector<16xf32>
      %mul3A_68 = arith.constant 16 : i32
      %mul3A_69 = arith.muli %scan3A_64, %mul3A_68 : i32
      %swap3A = arith.index_cast %mul3A_69 : i32 to index
      %swap3A_70 = tpu.vector_load %arg16[%swap3A] {strides = array<i32>} : memref<10240xf32, #tpu.memory_space<vmem>>, vector<16xf32>,
      tpu.vector_store %arg16[%swap3A], %broadcast_in_dim3A_67 {strides = array<i32>} : memref<10240xf32, #tpu.memory_space<vmem>>, vector<16xf32>,
      %scan3A_71 = arith.constant 0 : i32
      scf.yield %scan3A_71 : i32
    }
    %scan3A_53 = arith.constant 640 : i32
    %mul3A_54 = arith.constant 40 : i32
    %mul3A_55 = arith.muli %add3A, %mul3A_54 : i32
    "tpu.region"() ({
      %run_scoped3A_64 = tpu.sem_alloc : memref<!tpu.dma_semaphore, #tpu.memory_space<semaphore_mem>>
      %dma_start3A = arith.constant 0 : i32
      %dma_start3A_65 = tpu.memref_slice %arg3[%mul3A_55, %dma_start3A] : memref<1280x128xi32, #tpu.memory_space<hbm>> -> memref<40x128xi32, #tpu.memory_space<hbm>>
      %dma_start3A_66 = arith.constant 0 : i32
      %dma_start3A_67 = tpu.memref_slice %arg3[%mul3A_55, %dma_start3A_66] : memref<1280x128xi32, #tpu.memory_space<hbm>> -> memref<40x128xi32, #tpu.memory_space<hbm>>
      tpu.enqueue_dma source(%dma_start3A_67 : memref<40x128xi32, #tpu.memory_space<hbm>>) target(%arg17 : memref<40x128xi32, #tpu.memory_space<vmem>>) target_semaphore(%run_scoped3A_64 : memref<!tpu.dma_semaphore, #tpu.memory_space<semaphore_mem>>)
      %dma_wait3A = arith.constant 0 : i32
      %dma_wait3A_68 = tpu.memref_slice %arg3[%mul3A_55, %dma_wait3A] : memref<1280x128xi32, #tpu.memory_space<hbm>> -> memref<40x128xi32, #tpu.memory_space<hbm>>
      %dma_wait3A_69 = arith.constant 0 : i32
      %dma_wait3A_70 = tpu.memref_slice %arg3[%mul3A_55, %dma_wait3A_69] : memref<1280x128xi32, #tpu.memory_space<hbm>> -> memref<40x128xi32, #tpu.memory_space<hbm>>
      tpu.wait_dma2 semaphore(%run_scoped3A_64 : memref<!tpu.dma_semaphore, #tpu.memory_space<semaphore_mem>>) src(%dma_wait3A_70 : memref<40x128xi32, #tpu.memory_space<hbm>>) dst(%arg17 : memref<40x128xi32, #tpu.memory_space<vmem>>)
      tpu.yield
    }) : () -> ()
    %scan3A_56 = arith.constant 0 : i32
    %scan3A_57 = arith.constant 0 : i32
    %scan3A_58 = arith.constant 40 : i32
    %scan3A_59 = arith.addi %scan3A_57, %scan3A_58 : i32
    %scan3A_60 = arith.constant 1 : i32
    %scan3A_61 = scf.for %scan3A_64 = %scan3A_57 to %scan3A_59 step %scan3A_60 iter_args(%scan3A_65 = %scan3A_56) -> (i32)  : i32 {
      %get3A = arith.index_cast %scan3A_64 : i32 to index
      %get3A_66 = arith.constant 0 : index
      %get3A_67 = tpu.vector_load %arg17[%get3A, %get3A_66] {strides = array<i32>} : memref<40x128xi32, #tpu.memory_space<vmem>>, vector<16xi32>,
      tpu.vector_store_idx %arg16[%get3A_67], %broadcast_in_dim3A_46 {add = true} : memref<10240xf32, #tpu.memory_space<vmem>>[vector<16xi32>], vector<16xf32>,
      %get3A_68 = arith.index_cast %scan3A_64 : i32 to index
      %get3A_69 = arith.constant 16 : index
      %get3A_70 = tpu.vector_load %arg17[%get3A_68, %get3A_69] {strides = array<i32>} : memref<40x128xi32, #tpu.memory_space<vmem>>, vector<16xi32>,
      tpu.vector_store_idx %arg16[%get3A_70], %broadcast_in_dim3A_46 {add = true} : memref<10240xf32, #tpu.memory_space<vmem>>[vector<16xi32>], vector<16xf32>,
      %get3A_71 = arith.index_cast %scan3A_64 : i32 to index
      %get3A_72 = arith.constant 32 : index
      %get3A_73 = tpu.vector_load %arg17[%get3A_71, %get3A_72] {strides = array<i32>} : memref<40x128xi32, #tpu.memory_space<vmem>>, vector<16xi32>,
      tpu.vector_store_idx %arg16[%get3A_73], %broadcast_in_dim3A_46 {add = true} : memref<10240xf32, #tpu.memory_space<vmem>>[vector<16xi32>], vector<16xf32>,
      %get3A_74 = arith.index_cast %scan3A_64 : i32 to index
      %get3A_75 = arith.constant 48 : index
      %get3A_76 = tpu.vector_load %arg17[%get3A_74, %get3A_75] {strides = array<i32>} : memref<40x128xi32, #tpu.memory_space<vmem>>, vector<16xi32>,
      tpu.vector_store_idx %arg16[%get3A_76], %broadcast_in_dim3A_46 {add = true} : memref<10240xf32, #tpu.memory_space<vmem>>[vector<16xi32>], vector<16xf32>,
      %get3A_77 = arith.index_cast %scan3A_64 : i32 to index
      %get3A_78 = arith.constant 64 : index
      %get3A_79 = tpu.vector_load %arg17[%get3A_77, %get3A_78] {strides = array<i32>} : memref<40x128xi32, #tpu.memory_space<vmem>>, vector<16xi32>,
      tpu.vector_store_idx %arg16[%get3A_79], %broadcast_in_dim3A_46 {add = true} : memref<10240xf32, #tpu.memory_space<vmem>>[vector<16xi32>], vector<16xf32>,
      %get3A_80 = arith.index_cast %scan3A_64 : i32 to index
      %get3A_81 = arith.constant 80 : index
      %get3A_82 = tpu.vector_load %arg17[%get3A_80, %get3A_81] {strides = array<i32>} : memref<40x128xi32, #tpu.memory_space<vmem>>, vector<16xi32>,
      tpu.vector_store_idx %arg16[%get3A_82], %broadcast_in_dim3A_46 {add = true} : memref<10240xf32, #tpu.memory_space<vmem>>[vector<16xi32>], vector<16xf32>,
      %get3A_83 = arith.index_cast %scan3A_64 : i32 to index
      %get3A_84 = arith.constant 96 : index
      %get3A_85 = tpu.vector_load %arg17[%get3A_83, %get3A_84] {strides = array<i32>} : memref<40x128xi32, #tpu.memory_space<vmem>>, vector<16xi32>,
      tpu.vector_store_idx %arg16[%get3A_85], %broadcast_in_dim3A_46 {add = true} : memref<10240xf32, #tpu.memory_space<vmem>>[vector<16xi32>], vector<16xf32>,
      %get3A_86 = arith.index_cast %scan3A_64 : i32 to index
      %get3A_87 = arith.constant 112 : index
      %get3A_88 = tpu.vector_load %arg17[%get3A_86, %get3A_87] {strides = array<i32>} : memref<40x128xi32, #tpu.memory_space<vmem>>, vector<16xi32>,
      tpu.vector_store_idx %arg16[%get3A_88], %broadcast_in_dim3A_46 {add = true} : memref<10240xf32, #tpu.memory_space<vmem>>[vector<16xi32>], vector<16xf32>,
      %scan3A_89 = arith.constant 0 : i32
      scf.yield %scan3A_89 : i32
    }
    %scan3A_62 = arith.constant 40 : i32
    %run_scoped3A_63 = arith.constant 0 : i32
    "tpu.region"() ({
      %run_scoped3A_64 = tpu.sem_alloc : memref<!tpu.dma_semaphore, #tpu.memory_space<semaphore_mem>>
      %dma_start3A = arith.constant 0 : i32
      %dma_start3A_65 = tpu.memref_slice %arg7[%add3A, %run_scoped3A_63, %dma_start3A] : memref<32x1x10240xf32, #tpu.memory_space<hbm>> -> memref<1x1x10240xf32, #tpu.memory_space<hbm>>
      %dma_start3A_66 = tpu.memref_squeeze %dma_start3A_65 : memref<1x1x10240xf32, #tpu.memory_space<hbm>> -> memref<10240xf32, #tpu.memory_space<hbm>>
      %dma_start3A_67 = arith.constant 0 : i32
      %dma_start3A_68 = tpu.memref_slice %arg7[%add3A, %run_scoped3A_63, %dma_start3A_67] : memref<32x1x10240xf32, #tpu.memory_space<hbm>> -> memref<1x1x10240xf32, #tpu.memory_space<hbm>>
      %dma_start3A_69 = tpu.memref_squeeze %dma_start3A_68 : memref<1x1x10240xf32, #tpu.memory_space<hbm>> -> memref<10240xf32, #tpu.memory_space<hbm>>
      tpu.enqueue_dma source(%arg16 : memref<10240xf32, #tpu.memory_space<vmem>>) target(%dma_start3A_69 : memref<10240xf32, #tpu.memory_space<hbm>>) target_semaphore(%run_scoped3A_64 : memref<!tpu.dma_semaphore, #tpu.memory_space<semaphore_mem>>)
      %dma_wait3A = arith.constant 0 : i32
      %dma_wait3A_70 = tpu.memref_slice %arg7[%add3A, %run_scoped3A_63, %dma_wait3A] : memref<32x1x10240xf32, #tpu.memory_space<hbm>> -> memref<1x1x10240xf32, #tpu.memory_space<hbm>>
      %dma_wait3A_71 = tpu.memref_squeeze %dma_wait3A_70 : memref<1x1x10240xf32, #tpu.memory_space<hbm>> -> memref<10240xf32, #tpu.memory_space<hbm>>
      %dma_wait3A_72 = arith.constant 0 : i32
      %dma_wait3A_73 = tpu.memref_slice %arg7[%add3A, %run_scoped3A_63, %dma_wait3A_72] : memref<32x1x10240xf32, #tpu.memory_space<hbm>> -> memref<1x1x10240xf32, #tpu.memory_space<hbm>>
      %dma_wait3A_74 = tpu.memref_squeeze %dma_wait3A_73 : memref<1x1x10240xf32, #tpu.memory_space<hbm>> -> memref<10240xf32, #tpu.memory_space<hbm>>
      tpu.wait_dma2 semaphore(%run_scoped3A_64 : memref<!tpu.dma_semaphore, #tpu.memory_space<semaphore_mem>>) src(%arg16 : memref<10240xf32, #tpu.memory_space<vmem>>) dst(%dma_wait3A_74 : memref<10240xf32, #tpu.memory_space<hbm>>)
      tpu.yield
    }) : () -> ()
    return
  }
}

</mosaic_0001>

<sc_bundles>
// kernel: _sc_layer1.3.cloned.1.call-start
scs
__scs_entry_jumppad:
0x0: {  	(pc) =	sbr.rel $0x88, $3  }
0x1: {  	(tag) =	ssettag $0x0;
	lr =	simm.s32 $0x1  }
0x2: {  	[smem:$0x3F9D] =	sst lr;
	_ =	strace $0xD0000000  }
0x3: {  	_ = 	snop  }
0x4: {  	_ = 	snop  }
0x5: {  	_ = 	snop  }
0x6: {  	_ = 	snop  }
0x7: {  	_ = 	snop  }
__scs_overlays_trampoline_lowered:
0x8: {  	[smem:$0x3FAC] =	sst s0  }
0x9: {  	[smem:$0x3FAD] =	sst s1  }
0xa: {  	[smem:$0x3FAE] =	sst s2  }
0xb: {  	[smem:$0x3FAF] =	sst s3  }
0xc: {  	[smem:$0x3FB0] =	sst s4  }
0xd: {  	[smem:$0x3FB1] =	sst s5  }
0xe: {  	[smem:$0x3FB2] =	sst s6  }
0xf: {  	[smem:$0x3FB3] =	sst s7  }
0x10: {  	[smem:$0x3FB4] =	sst s8  }
0x11: {  	[smem:$0x3FB5] =	sst s9;
	s0 =	simm.s32 @!p0 $0x0  }
0x12: {  	s1 =	sld [smem:$0x3F9B];
	s0 =	simm.s32 @p0 $0x1  }
0x13: {  	[smem:$0x3FB6] =	sst s0;
	s0 =	simm.s32 @!p1 $0x0  }
0x14: {  	s2 =	sld [smem:$0x3F9A];
	s0 =	simm.s32 @p1 $0x1  }
0x15: {  	[smem:$0x3FB7] =	sst s0;
	s0 =	simm.s32 @!p2 $0x0  }
0x16: {  	s3 =	sld [smem:$0x3FDB];
	s0 =	simm.s32 @p2 $0x1  }
0x17: {  	s4 =	simm.s32 $0x1BF5;
	[smem:$0x3FB9] =	sst s0  }
0x18: {  	s0 =	sld [smem:$0x3F9C];
	_ =	swait.ge [sflag:s4], $0x0  }
0x19: {  	s7 =	sld [smem:$0x3F9D]  }
0x1a: {  	s8 =	sadd.s32 $0xFFFFE003, lr  }
0x1b: {  	s9 =	sadd.s32 $0xFFFFFEF7, lr;
	s5 =	simm.s32 $0xFFFFFFFF;
	p2 =	slt.u32 s8, $0xFFFFF086  }
0x1c: {  	p1 =	slt.u32 s9, $0xF7A;
	s5 =	simm.s32 @!p2 $0x0  }
0x1d: {  	s5 =	simm.s32 @p1 $0x1;
	p0 =	seq.s32 s7, s2  }
0x1e: {  	s7 =	smul.u32 @!p0 $0xF7A, s2;
	p2 =	seq.s32 @!p0 s5, $0x0  }
0x1f: {  	s9 =	smul.u32 $0xF7A, s1;
	s8 =	simm.s32 @!p0 $0x1BF5;
	p2 =	por !p2, p0  }
0x20: {  	[sflag:s8] =	ssyncset.s32 @!p0 $0xFFFFF086;
	s6 =	sadd.s32 @!p0 s3, s7;
	s7 =	simm.s32 @!p0 $0x108  }
0x21: {  	s3 =	sadd.s32 s3, s9;
	s6 =	sadd.s32 @!p0 $0x88, s6;
	s7 =	simm.s32 @p2 $0x1082  }
0x22: {  	[simem:s7], [sflag:s8] =	dma.local @!p0 [hbm:s6], $0xF7A  }
0x23: {  	s9 =	sor.u32 $0xD0000000, s2;
	s6 =	simm.s32 $0x108;
	_ =	swait.ge @!p0 [sflag:s8], $0x0  }
0x24: {  	s3 =	sadd.s32 $0x88, s3;
	s6 =	simm.s32 @!p1 $0x1082;
	[sflag:s4] =	ssyncset.s32 $0xFFFFF086  }
0x25: {  	[simem:s6], [sflag:s4] =	dma.local [hbm:s3], $0xF7A  }
0x26: {  	[smem:$0x3F9D] =	sst s1;
	(tag) =	ssettag s2;
	_ =	strace s9  }
0x27: {  	s1 =	sld [smem:$0x3FAD]  }
0x28: {  	s2 =	sld [smem:$0x3FAE]  }
0x29: {  	s4 =	sld [smem:$0x3FB0]  }
0x2a: {  	p0 =	seq.s32 s5, $0x0;
	s5 =	sld [smem:$0x3FB1]  }
0x2b: {  	s6 =	sld [smem:$0x3FB2]  }
0x2c: {  	s7 =	sld [smem:$0x3FB3]  }
0x2d: {  	s3 =	simm.s32 $0x108;
	s8 =	sld [smem:$0x3FB4]  }
0x2e: {  	s3 =	simm.s32 @!p0 $0x1082;
	s9 =	sld [smem:$0x3FB5]  }
0x2f: {  	lr =	sadd.s32 s0, s3;
	s0 =	sld [smem:$0x3FAC]  }
0x30: {  	s3 =	sld [smem:$0x3FAF]  }
0x31: {  	[smem:$0x3FB8] =	sst s10  }
0x32: {  	s10 =	sld [smem:$0x3FB6];
	_ =	sdelay $0x3  }
0x33: {  	p0 =	seq.s32 s10, $0x1;
	s10 =	sld [smem:$0x3FB8];
	_ =	sdelay $0x3  }
0x34: {  	[smem:$0x3FB8] =	sst s10  }
0x35: {  	s10 =	sld [smem:$0x3FB7];
	_ =	sdelay $0x3  }
0x36: {  	p1 =	seq.s32 s10, $0x1;
	s10 =	sld [smem:$0x3FB8];
	_ =	sdelay $0x3  }
0x37: {  	[smem:$0x3FB8] =	sst s10  }
0x38: {  	s10 =	sld [smem:$0x3FB9]  }
0x39: {  	_ = 	snop;
	(pc) =	sbr.ind lr, $3  }
0x3a: {  	_ = 	snop  }
0x3b: {  	_ = 	snop  }
0x3c: {  	p2 =	seq.s32 s10, $0x1;
	s10 =	sld [smem:$0x3FB8]  }
0x3d: {  	_ =	shalt  }
0x3e: {  	_ =	shalt  }
0x3f: {  	_ =	shalt  }
0x40: {  	_ =	shalt  }
0x41: {  	_ =	shalt  }
0x42: {  	_ =	shalt  }
0x43: {  	_ =	shalt  }
0x44: {  	_ =	shalt  }
0x45: {  	_ =	shalt  }
0x46: {  	_ =	shalt  }
0x47: {  	_ =	shalt  }
0x48: {  	_ =	shalt  }
0x49: {  	_ =	shalt  }
0x4a: {  	_ =	shalt  }
0x4b: {  	_ =	shalt  }
0x4c: {  	_ =	shalt  }
0x4d: {  	_ =	shalt  }
0x4e: {  	_ =	shalt  }
0x4f: {  	_ =	shalt  }
0x50: {  	_ =	shalt  }
0x51: {  	_ =	shalt  }
0x52: {  	_ =	shalt  }
0x53: {  	_ =	shalt  }
0x54: {  	_ =	shalt  }
0x55: {  	_ =	shalt  }
0x56: {  	_ =	shalt  }
0x57: {  	_ =	shalt  }
0x58: {  	_ =	shalt  }
0x59: {  	_ =	shalt  }
0x5a: {  	_ =	shalt  }
0x5b: {  	_ =	shalt  }
0x5c: {  	_ =	shalt  }
0x5d: {  	_ =	shalt  }
0x5e: {  	_ =	shalt  }
0x5f: {  	_ =	shalt  }
0x60: {  	_ =	shalt  }
0x61: {  	_ =	shalt  }
0x62: {  	_ =	shalt  }
0x63: {  	_ =	shalt  }
0x64: {  	_ =	shalt  }
0x65: {  	_ =	shalt  }
0x66: {  	_ =	shalt  }
0x67: {  	_ =	shalt  }
0x68: {  	_ =	shalt  }
0x69: {  	_ =	shalt  }
0x6a: {  	_ =	shalt  }
0x6b: {  	_ =	shalt  }
0x6c: {  	_ =	shalt  }
0x6d: {  	_ =	shalt  }
0x6e: {  	_ =	shalt  }
0x6f: {  	_ =	shalt  }
0x70: {  	_ =	shalt  }
0x71: {  	_ =	shalt  }
0x72: {  	_ =	shalt  }
0x73: {  	_ =	shalt  }
0x74: {  	_ =	shalt  }
0x75: {  	_ =	shalt  }
0x76: {  	_ =	shalt  }
0x77: {  	_ =	shalt  }
0x78: {  	_ =	shalt  }
0x79: {  	_ =	shalt  }
0x7a: {  	_ =	shalt  }
0x7b: {  	_ =	shalt  }
0x7c: {  	_ =	shalt  }
0x7d: {  	_ =	shalt  }
0x7e: {  	_ =	shalt  }
0x7f: {  	_ =	shalt  }
0x80: {  	_ =	shalt  }
0x81: {  	_ =	shalt  }
0x82: {  	_ =	shalt  }
0x83: {  	_ =	shalt  }
0x84: {  	_ =	shalt  }
0x85: {  	_ =	shalt  }
0x86: {  	_ =	shalt  }
0x87: {  	_ =	shalt  }
.Lfunc_end0:
.L_simem_size_0:
called_computation_lowered:
.L_overlay_start_0:
0x88: {  	s2 =	sld [smem:$0x3FD9]  }
0x89: {  	s3 =	sld [smem:$0x3FFE];
	_ =	sdelay $0x1  }
0x8a: {  	s1 =	srdreg.scid  }
0x8b: {  	s0 =	sand.u32 $0x1, s1  }
0x8c: {  	s15 =	sshll.u32 s0, $0xA;
	s2 =	sadd.s32 s3, s2  }
0x8d: {  	s2 =	sadd.s32 s2, s15  }
0x8e: {  	[smem:$0x3FC4] =	sst s2  }
0x8f: {  	_ = 	snop  }
0x90: {  	s2 =	sld [smem:$0x3FC9]  }
0x91: {  	s16 =	sld [smem:$0x3FD0]  }
0x92: {  	s4 =	sld [smem:$0x3FC8]  }
0x93: {  	s5 =	sld [smem:$0x3FC7]  }
0x94: {  	s7 =	simm.s32 $0xA;
	s8 =	simm.s32 $0x10;
	s6 =	sld [smem:$0x3FC6]  }
0x95: {  	[smem:s8], [sflag:s7] =	dma.local [hbm:s16], $0x1  }
0x96: {  	_ =	swait.eq [sflag:s7], $0x1  }
0x97: {  	[sflag:s7] =	ssyncset.done $0x0  }
0x98: {  	s17 =	sld [smem:$0x10];
	[sflag:s7] =	ssyncadd.s32 $0xFFFFFFFF  }
0x99: {  	s18 =	sld [smem:$0x11];
	(tm) =	ssettm $0x1  }
0x9a: {  	s19 =	sld [smem:$0x3FFB];
	_ =	sdelay $0x3  }
0x9b: {  	_ =	strace s19  }
0x9c: {  	s8 =	sld [smem:$0x3FFC];
	_ =	sdelay $0x3  }
0x9d: {  	_ =	strace s8  }
0x9e: {  	s8 =	sld [smem:$0x3FFD];
	_ =	sdelay $0x3  }
0x9f: {  	_ =	strace s8  }
0xa0: {  	_ =	strace $0x8FFFFFFF  }
0xa1: {  	s20 =	sld [smem:$0x3FDB];
	_ =	sdelay $0x1  }
0xa2: {  	s9 =	simm.s32 $_scs_section_size  }
0xa3: {  	s10 =	simm.s32 $_size__tile_overlayer_lowered;
	s11 =	simm.s32 $_tile_overlayer_lowered  }
0xa4: {  	s23 =	simm.s32 $0x1BFF;
	s22 =	sshll.u32 s11, $0x1;
	s8 =	sadd.s32 s9, s20  }
0xa5: {  	s12 =	simm.s32 $0x0;
	s21 =	sshll.u32 s10, $0x1;
	s10 =	sadd.s32 s22, s8  }
0xa6: {  	[timem:s12], [sflag:s23] =	dma.local [hbm:s10], s21  }
0xa7: {  	_ =	swait.ge [sflag:s23], s21  }
0xa8: {  	s9 =	ssub.s32 $0x0, s21;
	[sflag:s23] =	ssyncset.done $0x0  }
0xa9: {  	[sflag:s23] =	ssyncadd.s32 s9;
	_ =	sdelay $0x1  }
0xaa: {  	s24 =	simm.s32 $0x1B8B  }
0xab: {  	_ =	swait.ge [sflag:s24], $0x1  }
0xac: {  	[sflag:s24] =	ssyncset.done $0x0  }
0xad: {  	s25 =	simm.s32 $0x1B8E;
	[sflag:s24] =	ssyncadd.s32 $0xFFFFFFFF  }
0xae: {  	s26 =	simm.s32 $execute0_lowered;
	[smem:$0x3FD2] =	sst s25  }
0xaf: {  	s9 =	sshll.u32 s26, $0x1;
	_ =	strace $0x80000046;
	[dreg:$0x1] =	wrdreg $0xFFFFFFFF  }
0xb0: {  	s28 =	simm.s32 $_size_execute0_lowered;
	s8 =	sadd.s32 s8, s9;
	[dreg:$0x0] =	wrdreg $0x0  }
0xb1: {  	s9 =	sshll.u32 s28, $0x1;
	[dreg:$0x2] =	wrdreg s8  }
0xb2: {  	[dreg:$0x3] =	wrdreg s9  }
0xb3: {  	[dreg:$0x4] =	wrdreg $0xC0  }
0xb4: {  	_ =	task [dreg:s12], $0x5FFFF  }
0xb5: {  	[dreg:$0x1] =	wrdreg $0xFFFFFFFF  }
0xb6: {  	[dreg:$0x0] =	wrdreg $0x60  }
0xb7: {  	[dreg:$0x2] =	wrdreg s2  }
0xb8: {  	[dreg:$0x3] =	wrdreg s4  }
0xb9: {  	[dreg:$0x4] =	wrdreg s5  }
0xba: {  	[dreg:$0x5] =	wrdreg s6  }
0xbb: {  	[dreg:$0x6] =	wrdreg s17  }
0xbc: {  	[dreg:$0x7] =	wrdreg s18  }
0xbd: {  	[dreg:$0x8] =	wrdreg $0x9  }
0xbe: {  	_ =	task.clear_ibuf [dreg:s12], $0x9FFFF;
	_ =	strace $0x90000046  }
0xbf: {  	s29 =	simm.s32 $0x9;
	_ =	strace $0x80000048  }
0xc0: {  	_ =	swait.ge [sflag:s29], $0x1  }
0xc1: {  	[sflag:s29] =	ssyncadd.s32 $0xFFFFFFFF  }
0xc2: {  	_ =	strace $0x90000048  }
0xc3: {  	_ =	sfence  }
0xc4: {  	s30 =	sld [smem:$0x0];
	_ =	sdelay $0x2  }
0xc5: {  	s31 =	sshll.u32 s1, $0xD;
	s1 =	sshrl.u32 s1, $0x2  }
0xc6: {  	s3 =	sand.u32 $0x4000, s31;
	s1 =	sadd.s32 s1, s30  }
0xc7: {  	s0 =	sor.u32 s3, s0;
	s1 =	sshll.u32 s1, $0x11  }
0xc8: {  	s0 =	sor.u32 s1, s0  }
0xc9: {  	s0 =	sadd.s32 $0x8F2B, s0  }
0xca: {  	[sflag:s0] =	ssyncadd.remote.s32 $0x1  }
0xcb: {  	_ =	sfence.sel $0xFFFF  }
0xcc: {  	[dreg:$0x0] =	wrdreg $0xFFFFFFFF;
	(pc) =	sbr.abs _section_cstart, $3  }
0xcd: {  	[dreg:$0x1] =	wrdreg $0xFFFFFFFF  }
0xce: {  	_ =	task.clear_ibuf [dreg:s12], $0x2FFFF;
	_ =	strace $0x9FFFFFFF  }
0xcf: {  	(tm) =	ssettm $0x7FFFFFFF  }
tec
execute0_lowered:
.L_overlay_start_1:
0x0: {  	(tag) =	ssettag $0x1  }
0x1: {  	s0 =	srdreg.scid;
	s9 =	rddreg [dreg:$0x0]  }
0x2: {  	s1 =	rddreg [dreg:$0x1];
	s4 =	sand.u32 $0x1, s0  }
0x3: {  	s26 =	stileid.u32;
	s3 =	rddreg [dreg:$0x3];
	s2 =	sshll.u32 s4, $0x4  }
0x4: {  	s13 =	rddreg [dreg:$0x4];
	s11 =	sor.u32 s26, s2  }
0x5: {  	s15 =	rddreg [dreg:$0x5];
	s21 =	simm.s32 $0x4F00;
	s6 =	smul.u32 $0x13C0, s11  }
0x6: {  	s22 =	simm.s32 $0xEE00;
	s23 =	simm.s32 $0x7680;
	s17 =	smul.u32 $0x1400, s11  }
0x7: {  	s24 =	simm.s32 $0x11600;
	s25 =	simm.s32 $0x16600;
	s20 =	smul.u32 $0x280, s11  }
0x8: {  	s28 =	simm.s32 $0x13E00;
	s14 =	sshllo.u32 s11, $0x2;
	s31 =	smul.u32 $0x500, s11  }
0x9: {  	s29 =	simm.s32 $0x0;
	s5 =	sshll.u32 s11, $0x2;
	s16 =	smul.u32 $0x4F0, s14  }
0xa: {  	s4 =	ssub.s32 $0x2, s4;
	s7 =	sor.u32 $0x1, s5;
	s14 =	smul.u32 $0x500, s14  }
0xb: {  	s2 =	rddreg [dreg:$0x2];
	s10 =	sor.u32 $0x2, s5;
	s8 =	smul.u32 $0x4F0, s7  }
0xc: {  	s30 =	sshrl.u32 s4, $0x1;
	s26 =	simm.s32 $0x17A00;
	s12 =	smul.u32 $0x4F0, s10  }
0xd: {  	s4 =	ssub.s32 s4, s30;
	s5 =	simm.s32 $0x0;
	s18 =	smul.u32 $0x500, s7  }
0xe: {  	[smem:$0x7FF] =	sst s5;
	s19 =	smul.u32 $0x500, s10;
	s6 =	sadd.s32 s9, s6  }
0xf: {  	s10 =	sadd.s32 s13, s17;
	s15 =	sadd.s32 s15, s31;
	s17 =	simm.s32 $0x1  }
0x10: {  	_ =	strace $0x80000047;
	s7 =	sadd.s32 s9, s8;
	s8 =	sadd.s32 s9, s12  }
0x11: {  	s9 =	sadd.s32 s9, s16;
	s11 =	sadd.s32 s13, s18;
	s12 =	sadd.s32 s13, s19  }
0x12: {  	s13 =	sadd.s32 s13, s14;
	s14 =	sadd.s32 s1, s20;
	s16 =	smax.u32 s4, $0x1  }
0x13: {  	v0 =	vimm.f32 $0.0e+00;
	v1 =	vimm.f32 $1.000000000e+00;
	s18 =	simm.s32 $0x9E00;
	s19 =	simm.s32 $0x2780;
	s20 =	simm.s32 $0xC600  }
.LBB2_1:
0x14: {  	[tilespmem:s5], [sflag:$0x1] =	stream.linear.gather [hbm4b:s6+s5], $0x2780, $0x38;
	[tilespmem:$0x18E00] =	vst v63  }
0x15: {  	_ =	swait.ge [sflag:s17], $0x2780  }
0x16: {  	[sflag:s17] =	ssyncset.done $0x0  }
0x17: {  	[sflag:s17] =	ssyncadd.s32 $0xFFFFD880  }
0x18: {  	[tilespmem:s18], [sflag:$0x1] =	stream.linear.gather [hbm4b:s3+s5], $0x2800, $0x38;
	[tilespmem:$0x18E00] =	vst v63  }
0x19: {  	_ =	swait.ge [sflag:s17], $0x2800  }
0x1a: {  	[sflag:s17] =	ssyncset.done $0x0  }
0x1b: {  	[sflag:s17] =	ssyncadd.s32 $0xFFFFD800  }
0x1c: {  	[tilespmem:s19], [sflag:$0x1] =	stream.linear.gather [hbm4b:s7+s5], $0x2780, $0x38;
	[tilespmem:$0x18E00] =	vst v63  }
0x1d: {  	_ =	swait.ge [sflag:s17], $0x2780  }
0x1e: {  	[sflag:s17] =	ssyncset.done $0x0  }
0x1f: {  	[sflag:s17] =	ssyncadd.s32 $0xFFFFD880  }
0x20: {  	[tilespmem:s20], [sflag:$0x1] =	stream.linear.gather [hbm4b:s3+s5], $0x2800, $0x38;
	[tilespmem:$0x18E00] =	vst v63  }
0x21: {  	_ =	swait.ge [sflag:s17], $0x2800  }
0x22: {  	[sflag:s17] =	ssyncset.done $0x0  }
0x23: {  	[sflag:s17] =	ssyncadd.s32 $0xFFFFD800  }
0x24: {  	[tilespmem:s21], [sflag:$0x1] =	stream.linear.gather [hbm4b:s8+s5], $0x2780, $0x38;
	[tilespmem:$0x18E00] =	vst v63  }
0x25: {  	_ =	swait.ge [sflag:s17], $0x2780  }
0x26: {  	[sflag:s17] =	ssyncset.done $0x0  }
0x27: {  	[sflag:s17] =	ssyncadd.s32 $0xFFFFD880  }
0x28: {  	[tilespmem:s22], [sflag:$0x1] =	stream.linear.gather [hbm4b:s3+s5], $0x2800, $0x38;
	[tilespmem:$0x18E00] =	vst v63  }
0x29: {  	_ =	swait.ge [sflag:s17], $0x2800  }
0x2a: {  	[sflag:s17] =	ssyncset.done $0x0  }
0x2b: {  	[sflag:s17] =	ssyncadd.s32 $0xFFFFD800  }
0x2c: {  	[tilespmem:s23], [sflag:$0x1] =	stream.linear.gather [hbm4b:s9+s5], $0x2780, $0x38;
	[tilespmem:$0x18E00] =	vst v63  }
0x2d: {  	_ =	swait.ge [sflag:s17], $0x2780  }
0x2e: {  	[sflag:s17] =	ssyncset.done $0x0  }
0x2f: {  	[sflag:s17] =	ssyncadd.s32 $0xFFFFD880  }
0x30: {  	[tilespmem:s24], [sflag:$0x1] =	stream.linear.gather [hbm4b:s3+s5], $0x2800, $0x38;
	[tilespmem:$0x18E00] =	vst v63  }
0x31: {  	_ =	swait.ge [sflag:s17], $0x2800  }
0x32: {  	[sflag:s17] =	ssyncset.done $0x0  }
0x33: {  	s30 =	simm.s32 $0x0;
	[sflag:s17] =	ssyncadd.s32 $0xFFFFD800  }
.LBB2_2:
0x34: {  	s4 =	smul.u32 $0x280, s30;
	_ =	sdelay $0x1  }
0x35: {  	s31 =	simm.s32 $0x0;
	s0 =	sadd.s32 s1, s4  }
0x36: {  	[tilespmem:s25], [sflag:$0x1] =	stream.linear.gather [hbm4b:s0+s31], $0x1400, $0x38;
	[tilespmem:$0x18E00] =	vst v63  }
0x37: {  	_ =	swait.ge [sflag:s17], $0x1400  }
0x38: {  	[sflag:s17] =	ssyncset.done $0x0  }
0x39: {  	s4 =	sadd.s32 s2, s4;
	[sflag:s17] =	ssyncadd.s32 $0xFFFFEC00  }
0x3a: {  	[tilespmem:s26], [sflag:$0x1] =	stream.linear.gather [hbm4b:s4+s31], $0x1400, $0x38;
	[tilespmem:$0x18E00] =	vst v63  }
0x3b: {  	_ =	swait.ge [sflag:s17], $0x1400  }
0x3c: {  	[sflag:s17] =	ssyncset.done $0x0  }
0x3d: {  	[sflag:s17] =	ssyncadd.s32 $0xFFFFEC00  }
.LBB2_3:
0x3e: {  	s4 =	sshra.s32 s31, $0x2  }
0x3f: {  	v2 =	vld [tilespmem:s4+$0x17A00];
	_ =	sdelay $0x4  }
0x40: {  	v3 =	vld [tilespmem:s4+$0x16600];
	_ =	sdelay $0x2  }
0x41: {  	v4 =	vld.idx.msk [tilespmem:v2+s5+$0x0], $0xffff;
	_ =	sdelay $0x4  }
0x42: {  	[tilespmem:v3+s18+$0x0] =	vst.idx.add.f32.msk $0xffff, v4  }
0x43: {  	v4 =	vld.idx.msk [tilespmem:v2+s19+$0x0], $0xffff;
	_ =	sdelay $0x4  }
0x44: {  	[tilespmem:v3+s20+$0x0] =	vst.idx.add.f32.msk $0xffff, v4  }
0x45: {  	v4 =	vld.idx.msk [tilespmem:v2+s21+$0x0], $0xffff;
	_ =	sdelay $0x4  }
0x46: {  	[tilespmem:v3+s22+$0x0] =	vst.idx.add.f32.msk $0xffff, v4  }
0x47: {  	v2 =	vld.idx.msk [tilespmem:v2+s23+$0x0], $0xffff;
	_ =	sdelay $0x4  }
0x48: {  	[tilespmem:v3+s24+$0x0] =	vst.idx.add.f32.msk $0xffff, v2  }
0x49: {  	v2 =	vld [tilespmem:s4+$0x17A10];
	_ =	sdelay $0x4  }
0x4a: {  	v3 =	vld [tilespmem:s4+$0x16610];
	_ =	sdelay $0x2  }
0x4b: {  	v4 =	vld.idx.msk [tilespmem:v2+s5+$0x0], $0xffff;
	_ =	sdelay $0x4  }
0x4c: {  	[tilespmem:v3+s18+$0x0] =	vst.idx.add.f32.msk $0xffff, v4  }
0x4d: {  	v4 =	vld.idx.msk [tilespmem:v2+s19+$0x0], $0xffff;
	_ =	sdelay $0x4  }
0x4e: {  	[tilespmem:v3+s20+$0x0] =	vst.idx.add.f32.msk $0xffff, v4  }
0x4f: {  	v4 =	vld.idx.msk [tilespmem:v2+s21+$0x0], $0xffff;
	_ =	sdelay $0x4  }
0x50: {  	[tilespmem:v3+s22+$0x0] =	vst.idx.add.f32.msk $0xffff, v4  }
0x51: {  	v2 =	vld.idx.msk [tilespmem:v2+s23+$0x0], $0xffff;
	_ =	sdelay $0x4  }
0x52: {  	[tilespmem:v3+s24+$0x0] =	vst.idx.add.f32.msk $0xffff, v2  }
0x53: {  	v2 =	vld [tilespmem:s4+$0x17A20];
	_ =	sdelay $0x4  }
0x54: {  	v3 =	vld [tilespmem:s4+$0x16620];
	_ =	sdelay $0x2  }
0x55: {  	v4 =	vld.idx.msk [tilespmem:v2+s5+$0x0], $0xffff;
	_ =	sdelay $0x4  }
0x56: {  	[tilespmem:v3+s18+$0x0] =	vst.idx.add.f32.msk $0xffff, v4  }
0x57: {  	v4 =	vld.idx.msk [tilespmem:v2+s19+$0x0], $0xffff;
	_ =	sdelay $0x4  }
0x58: {  	[tilespmem:v3+s20+$0x0] =	vst.idx.add.f32.msk $0xffff, v4  }
0x59: {  	v4 =	vld.idx.msk [tilespmem:v2+s21+$0x0], $0xffff;
	_ =	sdelay $0x4  }
0x5a: {  	[tilespmem:v3+s22+$0x0] =	vst.idx.add.f32.msk $0xffff, v4  }
0x5b: {  	v2 =	vld.idx.msk [tilespmem:v2+s23+$0x0], $0xffff;
	_ =	sdelay $0x4  }
0x5c: {  	[tilespmem:v3+s24+$0x0] =	vst.idx.add.f32.msk $0xffff, v2  }
0x5d: {  	v2 =	vld [tilespmem:s4+$0x17A30];
	_ =	sdelay $0x4  }
0x5e: {  	v3 =	vld [tilespmem:s4+$0x16630];
	_ =	sdelay $0x2  }
0x5f: {  	v4 =	vld.idx.msk [tilespmem:v2+s5+$0x0], $0xffff;
	_ =	sdelay $0x4  }
0x60: {  	[tilespmem:v3+s18+$0x0] =	vst.idx.add.f32.msk $0xffff, v4  }
0x61: {  	v4 =	vld.idx.msk [tilespmem:v2+s19+$0x0], $0xffff;
	_ =	sdelay $0x4  }
0x62: {  	[tilespmem:v3+s20+$0x0] =	vst.idx.add.f32.msk $0xffff, v4  }
0x63: {  	v4 =	vld.idx.msk [tilespmem:v2+s21+$0x0], $0xffff;
	_ =	sdelay $0x4  }
0x64: {  	[tilespmem:v3+s22+$0x0] =	vst.idx.add.f32.msk $0xffff, v4  }
0x65: {  	v2 =	vld.idx.msk [tilespmem:v2+s23+$0x0], $0xffff;
	_ =	sdelay $0x4  }
0x66: {  	[tilespmem:v3+s24+$0x0] =	vst.idx.add.f32.msk $0xffff, v2  }
0x67: {  	v2 =	vld [tilespmem:s4+$0x17A40];
	_ =	sdelay $0x4  }
0x68: {  	v3 =	vld [tilespmem:s4+$0x16640];
	_ =	sdelay $0x2  }
0x69: {  	v4 =	vld.idx.msk [tilespmem:v2+s5+$0x0], $0xffff;
	_ =	sdelay $0x4  }
0x6a: {  	[tilespmem:v3+s18+$0x0] =	vst.idx.add.f32.msk $0xffff, v4  }
0x6b: {  	v4 =	vld.idx.msk [tilespmem:v2+s19+$0x0], $0xffff;
	_ =	sdelay $0x4  }
0x6c: {  	[tilespmem:v3+s20+$0x0] =	vst.idx.add.f32.msk $0xffff, v4  }
0x6d: {  	v4 =	vld.idx.msk [tilespmem:v2+s21+$0x0], $0xffff;
	_ =	sdelay $0x4  }
0x6e: {  	[tilespmem:v3+s22+$0x0] =	vst.idx.add.f32.msk $0xffff, v4  }
0x6f: {  	v2 =	vld.idx.msk [tilespmem:v2+s23+$0x0], $0xffff;
	_ =	sdelay $0x4  }
0x70: {  	[tilespmem:v3+s24+$0x0] =	vst.idx.add.f32.msk $0xffff, v2  }
0x71: {  	v2 =	vld [tilespmem:s4+$0x17A50];
	_ =	sdelay $0x4  }
0x72: {  	v3 =	vld [tilespmem:s4+$0x16650];
	_ =	sdelay $0x2  }
0x73: {  	v4 =	vld.idx.msk [tilespmem:v2+s5+$0x0], $0xffff;
	_ =	sdelay $0x4  }
0x74: {  	[tilespmem:v3+s18+$0x0] =	vst.idx.add.f32.msk $0xffff, v4  }
0x75: {  	v4 =	vld.idx.msk [tilespmem:v2+s19+$0x0], $0xffff;
	_ =	sdelay $0x4  }
0x76: {  	[tilespmem:v3+s20+$0x0] =	vst.idx.add.f32.msk $0xffff, v4  }
0x77: {  	v4 =	vld.idx.msk [tilespmem:v2+s21+$0x0], $0xffff;
	_ =	sdelay $0x4  }
0x78: {  	[tilespmem:v3+s22+$0x0] =	vst.idx.add.f32.msk $0xffff, v4  }
0x79: {  	v2 =	vld.idx.msk [tilespmem:v2+s23+$0x0], $0xffff;
	_ =	sdelay $0x4  }
0x7a: {  	[tilespmem:v3+s24+$0x0] =	vst.idx.add.f32.msk $0xffff, v2  }
0x7b: {  	v2 =	vld [tilespmem:s4+$0x17A60];
	_ =	sdelay $0x4  }
0x7c: {  	v3 =	vld [tilespmem:s4+$0x16660];
	_ =	sdelay $0x2  }
0x7d: {  	v4 =	vld.idx.msk [tilespmem:v2+s5+$0x0], $0xffff;
	_ =	sdelay $0x4  }
0x7e: {  	[tilespmem:v3+s18+$0x0] =	vst.idx.add.f32.msk $0xffff, v4  }
0x7f: {  	v4 =	vld.idx.msk [tilespmem:v2+s19+$0x0], $0xffff;
	_ =	sdelay $0x4  }
0x80: {  	[tilespmem:v3+s20+$0x0] =	vst.idx.add.f32.msk $0xffff, v4  }
0x81: {  	v4 =	vld.idx.msk [tilespmem:v2+s21+$0x0], $0xffff;
	_ =	sdelay $0x4  }
0x82: {  	[tilespmem:v3+s22+$0x0] =	vst.idx.add.f32.msk $0xffff, v4  }
0x83: {  	v2 =	vld.idx.msk [tilespmem:v2+s23+$0x0], $0xffff;
	_ =	sdelay $0x4  }
0x84: {  	[tilespmem:v3+s24+$0x0] =	vst.idx.add.f32.msk $0xffff, v2  }
0x85: {  	v2 =	vld [tilespmem:s4+$0x17A70];
	_ =	sdelay $0x4  }
0x86: {  	v3 =	vld [tilespmem:s4+$0x16670];
	_ =	sdelay $0x2  }
0x87: {  	v4 =	vld.idx.msk [tilespmem:v2+s5+$0x0], $0xffff;
	_ =	sdelay $0x4  }
0x88: {  	[tilespmem:v3+s18+$0x0] =	vst.idx.add.f32.msk $0xffff, v4  }
0x89: {  	v4 =	vld.idx.msk [tilespmem:v2+s19+$0x0], $0xffff;
	_ =	sdelay $0x4  }
0x8a: {  	[tilespmem:v3+s20+$0x0] =	vst.idx.add.f32.msk $0xffff, v4  }
0x8b: {  	v4 =	vld.idx.msk [tilespmem:v2+s21+$0x0], $0xffff;
	_ =	sdelay $0x4  }
0x8c: {  	[tilespmem:v3+s22+$0x0] =	vst.idx.add.f32.msk $0xffff, v4  }
0x8d: {  	p0 =	sne.s32 s31, $0x4E00;
	v2 =	vld.idx.msk [tilespmem:v2+s23+$0x0], $0xffff  }
.Ltmp0:
0x8e: {  	_ = 	snop;
	(pc) =	sbr.rel @p0 .LBB2_3-.Ltmp0, $2  }
0x8f: {  	_ =	sdelay $0x2  }
0x90: {  	s31 =	sadd.s32 $0x200, s31;
	[tilespmem:v3+s24+$0x0] =	vst.idx.add.f32.msk $0xffff, v2  }
0x91: {  	s30 =	sadd.s32 $0x1, s30  }
0x92: {  	p0 =	sne.s32 s30, $0x20  }
.Ltmp1:
0x93: {  	_ = 	snop;
	(pc) =	sbr.rel @p0 .LBB2_2-.Ltmp1, $1  }
0x94: {  	_ =	sdelay $0x3  }
0x95: {  	s0 =	simm.s32 $0x0  }
0x96: {  	[hbm4b:s10+s0] =	stream.linear.scatter [tilespmem:s18], [sflag:$0x1], $0x2800, $0x38;
	[tilespmem:$0x18E00] =	vst v63  }
0x97: {  	_ =	swait.ge [sflag:s17], $0x2800  }
0x98: {  	[sflag:s17] =	ssyncset.done $0x0  }
0x99: {  	[sflag:s17] =	ssyncadd.s32 $0xFFFFD800  }
0x9a: {  	[hbm4b:s11+s0] =	stream.linear.scatter [tilespmem:s20], [sflag:$0x1], $0x2800, $0x38;
	[tilespmem:$0x18E00] =	vst v63  }
0x9b: {  	_ =	swait.ge [sflag:s17], $0x2800  }
0x9c: {  	[sflag:s17] =	ssyncset.done $0x0  }
0x9d: {  	[sflag:s17] =	ssyncadd.s32 $0xFFFFD800  }
0x9e: {  	[hbm4b:s12+s0] =	stream.linear.scatter [tilespmem:s22], [sflag:$0x1], $0x2800, $0x38;
	[tilespmem:$0x18E00] =	vst v63  }
0x9f: {  	_ =	swait.ge [sflag:s17], $0x2800  }
0xa0: {  	[sflag:s17] =	ssyncset.done $0x0  }
0xa1: {  	[sflag:s17] =	ssyncadd.s32 $0xFFFFD800  }
0xa2: {  	[hbm4b:s13+s0] =	stream.linear.scatter [tilespmem:s24], [sflag:$0x1], $0x2800, $0x38;
	[tilespmem:$0x18E00] =	vst v63  }
0xa3: {  	_ =	swait.ge [sflag:s17], $0x2800  }
0xa4: {  	[sflag:s17] =	ssyncset.done $0x0  }
0xa5: {  	s4 =	simm.s32 $0x40;
	s30 =	simm.s32 $0x0;
	[sflag:s17] =	ssyncadd.s32 $0xFFFFD800  }
.LBB2_6:
0xa6: {  	p0 =	sne.s32 s4, $0x9FC0;
	[tilespmem:s30+$0x13E00] =	vst v0;
	s0 =	smov.u32 s4;
	s4 =	sadd.s32 $0x40, s4  }
.Ltmp2:
0xa7: {  	(pc) =	sbr.rel @p0 .LBB2_6-.Ltmp2, $2  }
0xa8: {  	_ =	sdelay $0x2  }
0xa9: {  	s30 =	sshra.s32 s0, $0x2  }
0xaa: {  	[tilespmem:s30+$0x13E00] =	vst v0;
	s4 =	simm.s32 $0x0  }
0xab: {  	[tilespmem:s25], [sflag:$0x1] =	stream.linear.gather [hbm4b:s14+s4], $0x1400, $0x38;
	[tilespmem:$0x18E00] =	vst v63  }
0xac: {  	_ =	swait.ge [sflag:s17], $0x1400  }
0xad: {  	[sflag:s17] =	ssyncset.done $0x0  }
0xae: {  	[sflag:s17] =	ssyncadd.s32 $0xFFFFEC00  }
.LBB2_8:
0xaf: {  	s0 =	sshra.s32 s4, $0x2  }
0xb0: {  	v2 =	vld [tilespmem:s0+$0x16600];
	_ =	sdelay $0x7  }
0xb1: {  	[tilespmem:v2+s28+$0x0] =	vst.idx.add.f32.msk $0xffff, v1  }
0xb2: {  	v2 =	vld [tilespmem:s0+$0x16610];
	_ =	sdelay $0x7  }
0xb3: {  	[tilespmem:v2+s28+$0x0] =	vst.idx.add.f32.msk $0xffff, v1  }
0xb4: {  	v2 =	vld [tilespmem:s0+$0x16620];
	_ =	sdelay $0x7  }
0xb5: {  	[tilespmem:v2+s28+$0x0] =	vst.idx.add.f32.msk $0xffff, v1  }
0xb6: {  	v2 =	vld [tilespmem:s0+$0x16630];
	_ =	sdelay $0x7  }
0xb7: {  	[tilespmem:v2+s28+$0x0] =	vst.idx.add.f32.msk $0xffff, v1  }
0xb8: {  	v2 =	vld [tilespmem:s0+$0x16640];
	_ =	sdelay $0x7  }
0xb9: {  	[tilespmem:v2+s28+$0x0] =	vst.idx.add.f32.msk $0xffff, v1  }
0xba: {  	v2 =	vld [tilespmem:s0+$0x16650];
	_ =	sdelay $0x7  }
0xbb: {  	[tilespmem:v2+s28+$0x0] =	vst.idx.add.f32.msk $0xffff, v1  }
0xbc: {  	v2 =	vld [tilespmem:s0+$0x16660];
	_ =	sdelay $0x7  }
0xbd: {  	[tilespmem:v2+s28+$0x0] =	vst.idx.add.f32.msk $0xffff, v1  }
0xbe: {  	v2 =	vld [tilespmem:s0+$0x16670];
	_ =	sdelay $0x2  }
0xbf: {  	p0 =	sne.s32 s4, $0x4E00  }
.Ltmp3:
0xc0: {  	_ = 	snop;
	(pc) =	sbr.rel @p0 .LBB2_8-.Ltmp3, $2  }
0xc1: {  	_ =	sdelay $0x2  }
0xc2: {  	s4 =	sadd.s32 $0x200, s4;
	[tilespmem:v2+s28+$0x0] =	vst.idx.add.f32.msk $0xffff, v1  }
0xc3: {  	s29 =	sadd.s32 $0x1, s29  }
0xc4: {  	p0 =	sne.s32 s29, s16  }
.Ltmp4:
0xc5: {  	_ = 	snop;
	(pc) =	sbr.rel @p0 .LBB2_1-.Ltmp4, $4  }
0xc6: {  	[hbm4b:s15+s5] =	stream.linear.scatter [tilespmem:s28], [sflag:$0x1], $0x2800, $0x38;
	[tilespmem:$0x18E00] =	vst v63  }
0xc7: {  	_ =	swait.ge [sflag:s17], $0x2800  }
0xc8: {  	[sflag:s17] =	ssyncset.done $0x0  }
0xc9: {  	[sflag:s17] =	ssyncadd.s32 $0xFFFFD800  }
0xca: {  	_ =	sfence.sel $0x180000  }
0xcb: {  	[bflag:$0x0] =	sbarrier.arrive $0xFFFF  }
0xcc: {  	_ =	strace $0x90000047  }
0xcd: {  	s0 =	stileid.u32;
	[bflag:$0x2] =	sbarrier.arrive $0xFFFF  }
0xce: {  	p0 =	sne.s32 s0, $0x0;
	s0 =	rddreg [dreg:$0x6]  }
0xcf: {  	s0 =	sadd.s32 @!p0 $0x100000, s0  }
0xd0: {  	[sflag:s0] =	ssyncadd.tile.s32 @!p0 $0x1;
	_ =	shalt  }
.Lfunc_end2:
_tile_overlayer_lowered:
.L_overlay_start_2:
0xd1: {  	(tag) =	ssettag $0x2  }
0xd2: {  	s0 =	rddreg [dreg:$0x0];
	s2 =	stileid.u32  }
0xd3: {  	s1 =	rddreg [dreg:$0x1];
	p0 =	sne.s32 s2, $0x0  }
0xd4: {  	s3 =	rddreg [dreg:$0x2];
	[bflag:$0x3] =	sbarrier.arrive $0xFFFF;
	s2 =	simm.s32 @!p0 $0x1C01  }
0xd5: {  	[timem:s3], [sflag:s2] =	dma.local @!p0 [hbm:s0], s1  }
0xd6: {  	s0 =	simm.s32 @!p0 $0x1  }
0xd7: {  	_ =	swait.ge @!p0 [sflag:s0], s1  }
0xd8: {  	s1 =	ssub.s32 @!p0 $0x0, s1;
	[sflag:s0] =	ssyncset.done @!p0 $0x0  }
0xd9: {  	[sflag:s0] =	ssyncadd.s32 @!p0 s1  }
0xda: {  	[bflag:$0x3] =	sbarrier.arrive $0xFFFF  }
0xdb: {  	_ =	shalt  }

</sc_bundles>
